<compile_context>
chip_gen: v7x
topology: tpu7x:2x2x1
jax: 0.10.2.dev20260603
libtpu: 0.0.44.dev20260713+nightly
codegen_flags: <defaults>
</compile_context>

<pallas_src>
import functools

import jax
import jax.numpy as jnp
from jax import lax
from jax.experimental import pallas as pl
from jax.experimental.pallas import tpu as pltpu
from jax.experimental.pallas import tpu_sc as plsc

NW = 32
NBUF = 8


def _gather_kernel(per_w, x_hbm, table_hbm, out_hbm,
                   idx_v, rows_v, gsems, osems):
    nc = 2
    wid = lax.axis_index("s") * nc + lax.axis_index("c")
    s0 = wid * per_w
    pltpu.sync_copy(x_hbm.at[pl.ds(s0, per_w)], idx_v)

    @pl.loop(0, per_w, step=NBUF)
    def group(i0):
        descs = []
        for b in range(NBUF):
            @pl.when(i0 > 0)
            def _(b=b):
                pltpu.make_async_copy(
                    rows_v.at[b], out_hbm.at[0], osems[b]
                ).wait()
            descs.append(
                pltpu.async_copy(
                    table_hbm.at[idx_v.at[i0 + b]], rows_v.at[b], gsems[b]
                )
            )
        for b in range(NBUF):
            descs[b].wait()
            pltpu.async_copy(
                rows_v.at[b], out_hbm.at[s0 + i0 + b], osems[b]
            )

    for b in range(NBUF):
        pltpu.make_async_copy(
            rows_v.at[b], out_hbm.at[0], osems[b]
        ).wait()


def kernel(x, table):
    B, H = x.shape
    V, D = table.shape
    per_w = B // NW
    assert per_w * NW == B and per_w % NBUF == 0

    mesh = plsc.VectorSubcoreMesh(core_axis_name="c", subcore_axis_name="s")
    run = pl.kernel(
        functools.partial(_gather_kernel, per_w),
        out_type=jax.ShapeDtypeStruct((B, H, D), jnp.float32),
        mesh=mesh,
        scratch_types=[
            pltpu.VMEM((per_w, H), jnp.int32),
            pltpu.VMEM((NBUF, H, D), jnp.float32),
            [pltpu.SemaphoreType.DMA] * NBUF,
            [pltpu.SemaphoreType.DMA] * NBUF,
        ],
        compiler_params=pltpu.CompilerParams(use_tc_tiling_on_sc=False),
    )
    return run(x.astype(jnp.int32), table)

# --- scband reference (transcript-rebuilt; emitter-appended) ---
"""Pipeline reference for scband-sentence-embedding-model-13348758356184 (READ-ONLY COPY).

The authoritative reference and input builder live on the scoring server;
editing this copy changes nothing except your own understanding.
"""

import jax, jax.numpy as jnp
import numpy as np

VOCAB = 1000000
EMBED_DIM = 64
BATCH = 16384
HIST = 50

def setup_inputs(seed: int = 0) -> dict:
    key = jax.random.key(seed)
    k_idx, k_tab = jax.random.split(key)
    x = jax.random.randint(k_idx, (BATCH, HIST), 0, VOCAB, dtype=jnp.int64)
    table = jax.random.normal(k_tab, (VOCAB, EMBED_DIM), dtype=jnp.float32)
    return {"x": x, "table": table}

def reference(x, table):
    # nn.Embedding forward: gather rows of the table by index
    return jnp.take(table, x, axis=0)

if __name__ == "__main__":
    import jax
    _d = setup_inputs()
    print(jax.jit(kernel)(*tuple(_d.values())))

</pallas_src>

<mosaic_0001>
#map = affine_map<(d0, d1) -> (0, 0)>
#map1 = affine_map<(d0, d1) -> (0, 0, 0)>
module attributes {stable_mosaic.version = 14 : i64} {
  func.func @_gather_kernel(%arg0: i32, %arg1: i32, %arg2: memref<16384x50xi32, #tpu.memory_space<hbm>>, %arg3: memref<1000000x64xf32, #tpu.memory_space<hbm>>, %arg4: memref<16384x50x64xf32, #tpu.memory_space<hbm>>, %arg5: memref<512x50xi32, #tpu.memory_space<vmem>>, %arg6: memref<8x50x64xf32, #tpu.memory_space<vmem>>, %arg7: memref<!tpu.dma_semaphore, #tpu.memory_space<semaphore_mem>>, %arg8: memref<!tpu.dma_semaphore, #tpu.memory_space<semaphore_mem>>, %arg9: memref<!tpu.dma_semaphore, #tpu.memory_space<semaphore_mem>>, %arg10: memref<!tpu.dma_semaphore, #tpu.memory_space<semaphore_mem>>, %arg11: memref<!tpu.dma_semaphore, #tpu.memory_space<semaphore_mem>>, %arg12: memref<!tpu.dma_semaphore, #tpu.memory_space<semaphore_mem>>, %arg13: memref<!tpu.dma_semaphore, #tpu.memory_space<semaphore_mem>>, %arg14: memref<!tpu.dma_semaphore, #tpu.memory_space<semaphore_mem>>, %arg15: memref<!tpu.dma_semaphore, #tpu.memory_space<semaphore_mem>>, %arg16: memref<!tpu.dma_semaphore, #tpu.memory_space<semaphore_mem>>, %arg17: memref<!tpu.dma_semaphore, #tpu.memory_space<semaphore_mem>>, %arg18: memref<!tpu.dma_semaphore, #tpu.memory_space<semaphore_mem>>, %arg19: memref<!tpu.dma_semaphore, #tpu.memory_space<semaphore_mem>>, %arg20: memref<!tpu.dma_semaphore, #tpu.memory_space<semaphore_mem>>, %arg21: memref<!tpu.dma_semaphore, #tpu.memory_space<semaphore_mem>>, %arg22: memref<!tpu.dma_semaphore, #tpu.memory_space<semaphore_mem>>) attributes {dimension_semantics = [#tpu.dimension_semantics<core_parallel>, #tpu.dimension_semantics<subcore_parallel>], iteration_bounds = array<i64: 2, 16>, scalar_prefetch = 0 : i64, scratch_operands = 18 : i64, tpu.core_type = #tpu.core_type<sc_vector_subcore>, window_params = [{transform_indices = #map}, {transform_indices = #map}, {transform_indices = #map1}]} {
    %mul3A = arith.constant 2 : i32
    %mul3A_0 = arith.muli %arg1, %mul3A : i32
    %add3A = arith.addi %mul3A_0, %arg0 : i32
    %mul3A_1 = arith.constant 512 : i32
    %mul3A_2 = arith.muli %add3A, %mul3A_1 : i32
    "tpu.region"() ({
      %run_scoped3A = tpu.sem_alloc : memref<!tpu.dma_semaphore, #tpu.memory_space<semaphore_mem>>
      %dma_start3A = arith.constant 0 : i32
      %dma_start3A_150 = tpu.memref_slice %arg2[%mul3A_2, %dma_start3A] : memref<16384x50xi32, #tpu.memory_space<hbm>> -> memref<512x50xi32, #tpu.memory_space<hbm>>
      %dma_start3A_151 = arith.constant 0 : i32
      %dma_start3A_152 = tpu.memref_slice %arg2[%mul3A_2, %dma_start3A_151] : memref<16384x50xi32, #tpu.memory_space<hbm>> -> memref<512x50xi32, #tpu.memory_space<hbm>>
      tpu.enqueue_dma source(%dma_start3A_152 : memref<512x50xi32, #tpu.memory_space<hbm>>) target(%arg5 : memref<512x50xi32, #tpu.memory_space<vmem>>) target_semaphore(%run_scoped3A : memref<!tpu.dma_semaphore, #tpu.memory_space<semaphore_mem>>)
      %dma_wait3A_153 = arith.constant 0 : i32
      %dma_wait3A_154 = tpu.memref_slice %arg2[%mul3A_2, %dma_wait3A_153] : memref<16384x50xi32, #tpu.memory_space<hbm>> -> memref<512x50xi32, #tpu.memory_space<hbm>>
      %dma_wait3A_155 = arith.constant 0 : i32
      %dma_wait3A_156 = tpu.memref_slice %arg2[%mul3A_2, %dma_wait3A_155] : memref<16384x50xi32, #tpu.memory_space<hbm>> -> memref<512x50xi32, #tpu.memory_space<hbm>>
      tpu.wait_dma2 semaphore(%run_scoped3A : memref<!tpu.dma_semaphore, #tpu.memory_space<semaphore_mem>>) src(%dma_wait3A_156 : memref<512x50xi32, #tpu.memory_space<hbm>>) dst(%arg5 : memref<512x50xi32, #tpu.memory_space<vmem>>)
      tpu.yield
    }) : () -> ()
    %scan3A = arith.constant 0 : i32
    %scan3A_3 = arith.constant 64 : i32
    %scan3A_4 = arith.addi %scan3A, %scan3A_3 : i32
    %scan3A_5 = arith.constant 1 : i32
    scf.for %scan3A_150 = %scan3A to %scan3A_4 step %scan3A_5  : i32 {
      %mul3A_151 = arith.constant 8 : i32
      %mul3A_152 = arith.muli %scan3A_150, %mul3A_151 : i32
      %add3A_153 = arith.constant 0 : i32
      %add3A_154 = arith.addi %add3A_153, %mul3A_152 : i32
      %gt3A = arith.constant 0 : i32
      %gt3A_155 = arith.cmpi sgt, %add3A_154, %gt3A : i32
      %convert_element_type3A = arith.extui %gt3A_155 : i1 to i32
      %cond3A = arith.constant 0 : i32
      %cond3A_156 = arith.cmpi ne, %convert_element_type3A, %cond3A : i32
      scf.if %cond3A_156 {
        %dma_wait3A_543 = arith.constant 0 : i32
        %dma_wait3A_544 = arith.constant 0 : i32
        %dma_wait3A_545 = arith.constant 0 : i32
        %dma_wait3A_546 = arith.constant 0 : i32
        %dma_wait3A_547 = tpu.memref_slice %arg6[%dma_wait3A_543, %dma_wait3A_545, %dma_wait3A_546] : memref<8x50x64xf32, #tpu.memory_space<vmem>> -> memref<1x50x64xf32, #tpu.memory_space<vmem>>
        %dma_wait3A_548 = tpu.memref_squeeze %dma_wait3A_547 : memref<1x50x64xf32, #tpu.memory_space<vmem>> -> memref<50x64xf32, #tpu.memory_space<vmem>>
        %dma_wait3A_549 = arith.constant 0 : i32
        %dma_wait3A_550 = arith.constant 0 : i32
        %dma_wait3A_551 = tpu.memref_slice %arg4[%dma_wait3A_544, %dma_wait3A_549, %dma_wait3A_550] : memref<16384x50x64xf32, #tpu.memory_space<hbm>> -> memref<1x50x64xf32, #tpu.memory_space<hbm>>
        %dma_wait3A_552 = tpu.memref_squeeze %dma_wait3A_551 : memref<1x50x64xf32, #tpu.memory_space<hbm>> -> memref<50x64xf32, #tpu.memory_space<hbm>>
        %dma_wait3A_553 = arith.constant 0 : i32
        %dma_wait3A_554 = arith.constant 0 : i32
        %dma_wait3A_555 = tpu.memref_slice %arg4[%dma_wait3A_544, %dma_wait3A_553, %dma_wait3A_554] : memref<16384x50x64xf32, #tpu.memory_space<hbm>> -> memref<1x50x64xf32, #tpu.memory_space<hbm>>
        %dma_wait3A_556 = tpu.memref_squeeze %dma_wait3A_555 : memref<1x50x64xf32, #tpu.memory_space<hbm>> -> memref<50x64xf32, #tpu.memory_space<hbm>>
        %dma_wait3A_557 = arith.constant 0 : i32
        %dma_wait3A_558 = arith.constant 0 : i32
        %dma_wait3A_559 = tpu.memref_slice %arg6[%dma_wait3A_543, %dma_wait3A_557, %dma_wait3A_558] : memref<8x50x64xf32, #tpu.memory_space<vmem>> -> memref<1x50x64xf32, #tpu.memory_space<vmem>>
        %dma_wait3A_560 = tpu.memref_squeeze %dma_wait3A_559 : memref<1x50x64xf32, #tpu.memory_space<vmem>> -> memref<50x64xf32, #tpu.memory_space<vmem>>
        tpu.wait_dma2 semaphore(%arg15 : memref<!tpu.dma_semaphore, #tpu.memory_space<semaphore_mem>>) src(%dma_wait3A_560 : memref<50x64xf32, #tpu.memory_space<vmem>>) dst(%dma_wait3A_556 : memref<50x64xf32, #tpu.memory_space<hbm>>)
      } else {
      }
      %add3A_157 = arith.constant 0 : i32
      %add3A_158 = arith.addi %add3A_154, %add3A_157 : i32
      %dma_start3A = arith.constant 0 : i32
      %dma_start3A_159 = arith.constant 0 : i32
      %dma_start3A_160 = arith.constant 0 : i32
      %dma_start3A_161 = tpu.memref_slice %arg6[%dma_start3A, %dma_start3A_159, %dma_start3A_160] : memref<8x50x64xf32, #tpu.memory_space<vmem>> -> memref<1x50x64xf32, #tpu.memory_space<vmem>>
      %dma_start3A_162 = tpu.memref_squeeze %dma_start3A_161 : memref<1x50x64xf32, #tpu.memory_space<vmem>> -> memref<50x64xf32, #tpu.memory_space<vmem>>
      %dma_start3A_163 = arith.constant 0 : i32
      %dma_start3A_164 = tpu.memref_slice %arg5[%add3A_158, %dma_start3A_163] : memref<512x50xi32, #tpu.memory_space<vmem>> -> memref<1x50xi32, #tpu.memory_space<vmem>>
      %dma_start3A_165 = tpu.memref_squeeze %dma_start3A_164 : memref<1x50xi32, #tpu.memory_space<vmem>> -> memref<50xi32, #tpu.memory_space<vmem>>
      %dma_start3A_166 = arith.constant 0 : i32
      %dma_start3A_167 = arith.constant 0 : i32
      %dma_start3A_168 = tpu.memref_slice %arg3[%dma_start3A_166, %dma_start3A_167] : memref<1000000x64xf32, #tpu.memory_space<hbm>> -> memref<1000000x64xf32, #tpu.memory_space<hbm>>
      tpu.enqueue_indirect_dma source(%dma_start3A_168 : memref<1000000x64xf32, #tpu.memory_space<hbm>>) target(%dma_start3A_162 : memref<50x64xf32, #tpu.memory_space<vmem>>) offsets(%dma_start3A_165 : memref<50xi32, #tpu.memory_space<vmem>>) semaphore(%arg7 : memref<!tpu.dma_semaphore, #tpu.memory_space<semaphore_mem>>)
      %gt3A_169 = arith.constant 0 : i32
      %gt3A_170 = arith.cmpi sgt, %add3A_154, %gt3A_169 : i32
      %convert_element_type3A_171 = arith.extui %gt3A_170 : i1 to i32
      %cond3A_172 = arith.constant 0 : i32
      %cond3A_173 = arith.cmpi ne, %convert_element_type3A_171, %cond3A_172 : i32
      scf.if %cond3A_173 {
        %dma_wait3A_543 = arith.constant 1 : i32
        %dma_wait3A_544 = arith.constant 0 : i32
        %dma_wait3A_545 = arith.constant 0 : i32
        %dma_wait3A_546 = arith.constant 0 : i32
        %dma_wait3A_547 = tpu.memref_slice %arg6[%dma_wait3A_543, %dma_wait3A_545, %dma_wait3A_546] : memref<8x50x64xf32, #tpu.memory_space<vmem>> -> memref<1x50x64xf32, #tpu.memory_space<vmem>>
        %dma_wait3A_548 = tpu.memref_squeeze %dma_wait3A_547 : memref<1x50x64xf32, #tpu.memory_space<vmem>> -> memref<50x64xf32, #tpu.memory_space<vmem>>
        %dma_wait3A_549 = arith.constant 0 : i32
        %dma_wait3A_550 = arith.constant 0 : i32
        %dma_wait3A_551 = tpu.memref_slice %arg4[%dma_wait3A_544, %dma_wait3A_549, %dma_wait3A_550] : memref<16384x50x64xf32, #tpu.memory_space<hbm>> -> memref<1x50x64xf32, #tpu.memory_space<hbm>>
        %dma_wait3A_552 = tpu.memref_squeeze %dma_wait3A_551 : memref<1x50x64xf32, #tpu.memory_space<hbm>> -> memref<50x64xf32, #tpu.memory_space<hbm>>
        %dma_wait3A_553 = arith.constant 0 : i32
        %dma_wait3A_554 = arith.constant 0 : i32
        %dma_wait3A_555 = tpu.memref_slice %arg4[%dma_wait3A_544, %dma_wait3A_553, %dma_wait3A_554] : memref<16384x50x64xf32, #tpu.memory_space<hbm>> -> memref<1x50x64xf32, #tpu.memory_space<hbm>>
        %dma_wait3A_556 = tpu.memref_squeeze %dma_wait3A_555 : memref<1x50x64xf32, #tpu.memory_space<hbm>> -> memref<50x64xf32, #tpu.memory_space<hbm>>
        %dma_wait3A_557 = arith.constant 0 : i32
        %dma_wait3A_558 = arith.constant 0 : i32
        %dma_wait3A_559 = tpu.memref_slice %arg6[%dma_wait3A_543, %dma_wait3A_557, %dma_wait3A_558] : memref<8x50x64xf32, #tpu.memory_space<vmem>> -> memref<1x50x64xf32, #tpu.memory_space<vmem>>
        %dma_wait3A_560 = tpu.memref_squeeze %dma_wait3A_559 : memref<1x50x64xf32, #tpu.memory_space<vmem>> -> memref<50x64xf32, #tpu.memory_space<vmem>>
        tpu.wait_dma2 semaphore(%arg16 : memref<!tpu.dma_semaphore, #tpu.memory_space<semaphore_mem>>) src(%dma_wait3A_560 : memref<50x64xf32, #tpu.memory_space<vmem>>) dst(%dma_wait3A_556 : memref<50x64xf32, #tpu.memory_space<hbm>>)
      } else {
      }
      %add3A_174 = arith.constant 1 : i32
      %add3A_175 = arith.addi %add3A_154, %add3A_174 : i32
      %dma_start3A_176 = arith.constant 1 : i32
      %dma_start3A_177 = arith.constant 0 : i32
      %dma_start3A_178 = arith.constant 0 : i32
      %dma_start3A_179 = tpu.memref_slice %arg6[%dma_start3A_176, %dma_start3A_177, %dma_start3A_178] : memref<8x50x64xf32, #tpu.memory_space<vmem>> -> memref<1x50x64xf32, #tpu.memory_space<vmem>>
      %dma_start3A_180 = tpu.memref_squeeze %dma_start3A_179 : memref<1x50x64xf32, #tpu.memory_space<vmem>> -> memref<50x64xf32, #tpu.memory_space<vmem>>
      %dma_start3A_181 = arith.constant 0 : i32
      %dma_start3A_182 = tpu.memref_slice %arg5[%add3A_175, %dma_start3A_181] : memref<512x50xi32, #tpu.memory_space<vmem>> -> memref<1x50xi32, #tpu.memory_space<vmem>>
      %dma_start3A_183 = tpu.memref_squeeze %dma_start3A_182 : memref<1x50xi32, #tpu.memory_space<vmem>> -> memref<50xi32, #tpu.memory_space<vmem>>
      %dma_start3A_184 = arith.constant 0 : i32
      %dma_start3A_185 = arith.constant 0 : i32
      %dma_start3A_186 = tpu.memref_slice %arg3[%dma_start3A_184, %dma_start3A_185] : memref<1000000x64xf32, #tpu.memory_space<hbm>> -> memref<1000000x64xf32, #tpu.memory_space<hbm>>
      tpu.enqueue_indirect_dma source(%dma_start3A_186 : memref<1000000x64xf32, #tpu.memory_space<hbm>>) target(%dma_start3A_180 : memref<50x64xf32, #tpu.memory_space<vmem>>) offsets(%dma_start3A_183 : memref<50xi32, #tpu.memory_space<vmem>>) semaphore(%arg8 : memref<!tpu.dma_semaphore, #tpu.memory_space<semaphore_mem>>)
      %gt3A_187 = arith.constant 0 : i32
      %gt3A_188 = arith.cmpi sgt, %add3A_154, %gt3A_187 : i32
      %convert_element_type3A_189 = arith.extui %gt3A_188 : i1 to i32
      %cond3A_190 = arith.constant 0 : i32
      %cond3A_191 = arith.cmpi ne, %convert_element_type3A_189, %cond3A_190 : i32
      scf.if %cond3A_191 {
        %dma_wait3A_543 = arith.constant 2 : i32
        %dma_wait3A_544 = arith.constant 0 : i32
        %dma_wait3A_545 = arith.constant 0 : i32
        %dma_wait3A_546 = arith.constant 0 : i32
        %dma_wait3A_547 = tpu.memref_slice %arg6[%dma_wait3A_543, %dma_wait3A_545, %dma_wait3A_546] : memref<8x50x64xf32, #tpu.memory_space<vmem>> -> memref<1x50x64xf32, #tpu.memory_space<vmem>>
        %dma_wait3A_548 = tpu.memref_squeeze %dma_wait3A_547 : memref<1x50x64xf32, #tpu.memory_space<vmem>> -> memref<50x64xf32, #tpu.memory_space<vmem>>
        %dma_wait3A_549 = arith.constant 0 : i32
        %dma_wait3A_550 = arith.constant 0 : i32
        %dma_wait3A_551 = tpu.memref_slice %arg4[%dma_wait3A_544, %dma_wait3A_549, %dma_wait3A_550] : memref<16384x50x64xf32, #tpu.memory_space<hbm>> -> memref<1x50x64xf32, #tpu.memory_space<hbm>>
        %dma_wait3A_552 = tpu.memref_squeeze %dma_wait3A_551 : memref<1x50x64xf32, #tpu.memory_space<hbm>> -> memref<50x64xf32, #tpu.memory_space<hbm>>
        %dma_wait3A_553 = arith.constant 0 : i32
        %dma_wait3A_554 = arith.constant 0 : i32
        %dma_wait3A_555 = tpu.memref_slice %arg4[%dma_wait3A_544, %dma_wait3A_553, %dma_wait3A_554] : memref<16384x50x64xf32, #tpu.memory_space<hbm>> -> memref<1x50x64xf32, #tpu.memory_space<hbm>>
        %dma_wait3A_556 = tpu.memref_squeeze %dma_wait3A_555 : memref<1x50x64xf32, #tpu.memory_space<hbm>> -> memref<50x64xf32, #tpu.memory_space<hbm>>
        %dma_wait3A_557 = arith.constant 0 : i32
        %dma_wait3A_558 = arith.constant 0 : i32
        %dma_wait3A_559 = tpu.memref_slice %arg6[%dma_wait3A_543, %dma_wait3A_557, %dma_wait3A_558] : memref<8x50x64xf32, #tpu.memory_space<vmem>> -> memref<1x50x64xf32, #tpu.memory_space<vmem>>
        %dma_wait3A_560 = tpu.memref_squeeze %dma_wait3A_559 : memref<1x50x64xf32, #tpu.memory_space<vmem>> -> memref<50x64xf32, #tpu.memory_space<vmem>>
        tpu.wait_dma2 semaphore(%arg17 : memref<!tpu.dma_semaphore, #tpu.memory_space<semaphore_mem>>) src(%dma_wait3A_560 : memref<50x64xf32, #tpu.memory_space<vmem>>) dst(%dma_wait3A_556 : memref<50x64xf32, #tpu.memory_space<hbm>>)
      } else {
      }
      %add3A_192 = arith.constant 2 : i32
      %add3A_193 = arith.addi %add3A_154, %add3A_192 : i32
      %dma_start3A_194 = arith.constant 2 : i32
      %dma_start3A_195 = arith.constant 0 : i32
      %dma_start3A_196 = arith.constant 0 : i32
      %dma_start3A_197 = tpu.memref_slice %arg6[%dma_start3A_194, %dma_start3A_195, %dma_start3A_196] : memref<8x50x64xf32, #tpu.memory_space<vmem>> -> memref<1x50x64xf32, #tpu.memory_space<vmem>>
      %dma_start3A_198 = tpu.memref_squeeze %dma_start3A_197 : memref<1x50x64xf32, #tpu.memory_space<vmem>> -> memref<50x64xf32, #tpu.memory_space<vmem>>
      %dma_start3A_199 = arith.constant 0 : i32
      %dma_start3A_200 = tpu.memref_slice %arg5[%add3A_193, %dma_start3A_199] : memref<512x50xi32, #tpu.memory_space<vmem>> -> memref<1x50xi32, #tpu.memory_space<vmem>>
      %dma_start3A_201 = tpu.memref_squeeze %dma_start3A_200 : memref<1x50xi32, #tpu.memory_space<vmem>> -> memref<50xi32, #tpu.memory_space<vmem>>
      %dma_start3A_202 = arith.constant 0 : i32
      %dma_start3A_203 = arith.constant 0 : i32
      %dma_start3A_204 = tpu.memref_slice %arg3[%dma_start3A_202, %dma_start3A_203] : memref<1000000x64xf32, #tpu.memory_space<hbm>> -> memref<1000000x64xf32, #tpu.memory_space<hbm>>
      tpu.enqueue_indirect_dma source(%dma_start3A_204 : memref<1000000x64xf32, #tpu.memory_space<hbm>>) target(%dma_start3A_198 : memref<50x64xf32, #tpu.memory_space<vmem>>) offsets(%dma_start3A_201 : memref<50xi32, #tpu.memory_space<vmem>>) semaphore(%arg9 : memref<!tpu.dma_semaphore, #tpu.memory_space<semaphore_mem>>)
      %gt3A_205 = arith.constant 0 : i32
      %gt3A_206 = arith.cmpi sgt, %add3A_154, %gt3A_205 : i32
      %convert_element_type3A_207 = arith.extui %gt3A_206 : i1 to i32
      %cond3A_208 = arith.constant 0 : i32
      %cond3A_209 = arith.cmpi ne, %convert_element_type3A_207, %cond3A_208 : i32
      scf.if %cond3A_209 {
        %dma_wait3A_543 = arith.constant 3 : i32
        %dma_wait3A_544 = arith.constant 0 : i32
        %dma_wait3A_545 = arith.constant 0 : i32
        %dma_wait3A_546 = arith.constant 0 : i32
        %dma_wait3A_547 = tpu.memref_slice %arg6[%dma_wait3A_543, %dma_wait3A_545, %dma_wait3A_546] : memref<8x50x64xf32, #tpu.memory_space<vmem>> -> memref<1x50x64xf32, #tpu.memory_space<vmem>>
        %dma_wait3A_548 = tpu.memref_squeeze %dma_wait3A_547 : memref<1x50x64xf32, #tpu.memory_space<vmem>> -> memref<50x64xf32, #tpu.memory_space<vmem>>
        %dma_wait3A_549 = arith.constant 0 : i32
        %dma_wait3A_550 = arith.constant 0 : i32
        %dma_wait3A_551 = tpu.memref_slice %arg4[%dma_wait3A_544, %dma_wait3A_549, %dma_wait3A_550] : memref<16384x50x64xf32, #tpu.memory_space<hbm>> -> memref<1x50x64xf32, #tpu.memory_space<hbm>>
        %dma_wait3A_552 = tpu.memref_squeeze %dma_wait3A_551 : memref<1x50x64xf32, #tpu.memory_space<hbm>> -> memref<50x64xf32, #tpu.memory_space<hbm>>
        %dma_wait3A_553 = arith.constant 0 : i32
        %dma_wait3A_554 = arith.constant 0 : i32
        %dma_wait3A_555 = tpu.memref_slice %arg4[%dma_wait3A_544, %dma_wait3A_553, %dma_wait3A_554] : memref<16384x50x64xf32, #tpu.memory_space<hbm>> -> memref<1x50x64xf32, #tpu.memory_space<hbm>>
        %dma_wait3A_556 = tpu.memref_squeeze %dma_wait3A_555 : memref<1x50x64xf32, #tpu.memory_space<hbm>> -> memref<50x64xf32, #tpu.memory_space<hbm>>
        %dma_wait3A_557 = arith.constant 0 : i32
        %dma_wait3A_558 = arith.constant 0 : i32
        %dma_wait3A_559 = tpu.memref_slice %arg6[%dma_wait3A_543, %dma_wait3A_557, %dma_wait3A_558] : memref<8x50x64xf32, #tpu.memory_space<vmem>> -> memref<1x50x64xf32, #tpu.memory_space<vmem>>
        %dma_wait3A_560 = tpu.memref_squeeze %dma_wait3A_559 : memref<1x50x64xf32, #tpu.memory_space<vmem>> -> memref<50x64xf32, #tpu.memory_space<vmem>>
        tpu.wait_dma2 semaphore(%arg18 : memref<!tpu.dma_semaphore, #tpu.memory_space<semaphore_mem>>) src(%dma_wait3A_560 : memref<50x64xf32, #tpu.memory_space<vmem>>) dst(%dma_wait3A_556 : memref<50x64xf32, #tpu.memory_space<hbm>>)
      } else {
      }
      %add3A_210 = arith.constant 3 : i32
      %add3A_211 = arith.addi %add3A_154, %add3A_210 : i32
      %dma_start3A_212 = arith.constant 3 : i32
      %dma_start3A_213 = arith.constant 0 : i32
      %dma_start3A_214 = arith.constant 0 : i32
      %dma_start3A_215 = tpu.memref_slice %arg6[%dma_start3A_212, %dma_start3A_213, %dma_start3A_214] : memref<8x50x64xf32, #tpu.memory_space<vmem>> -> memref<1x50x64xf32, #tpu.memory_space<vmem>>
      %dma_start3A_216 = tpu.memref_squeeze %dma_start3A_215 : memref<1x50x64xf32, #tpu.memory_space<vmem>> -> memref<50x64xf32, #tpu.memory_space<vmem>>
      %dma_start3A_217 = arith.constant 0 : i32
      %dma_start3A_218 = tpu.memref_slice %arg5[%add3A_211, %dma_start3A_217] : memref<512x50xi32, #tpu.memory_space<vmem>> -> memref<1x50xi32, #tpu.memory_space<vmem>>
      %dma_start3A_219 = tpu.memref_squeeze %dma_start3A_218 : memref<1x50xi32, #tpu.memory_space<vmem>> -> memref<50xi32, #tpu.memory_space<vmem>>
      %dma_start3A_220 = arith.constant 0 : i32
      %dma_start3A_221 = arith.constant 0 : i32
      %dma_start3A_222 = tpu.memref_slice %arg3[%dma_start3A_220, %dma_start3A_221] : memref<1000000x64xf32, #tpu.memory_space<hbm>> -> memref<1000000x64xf32, #tpu.memory_space<hbm>>
      tpu.enqueue_indirect_dma source(%dma_start3A_222 : memref<1000000x64xf32, #tpu.memory_space<hbm>>) target(%dma_start3A_216 : memref<50x64xf32, #tpu.memory_space<vmem>>) offsets(%dma_start3A_219 : memref<50xi32, #tpu.memory_space<vmem>>) semaphore(%arg10 : memref<!tpu.dma_semaphore, #tpu.memory_space<semaphore_mem>>)
      %gt3A_223 = arith.constant 0 : i32
      %gt3A_224 = arith.cmpi sgt, %add3A_154, %gt3A_223 : i32
      %convert_element_type3A_225 = arith.extui %gt3A_224 : i1 to i32
      %cond3A_226 = arith.constant 0 : i32
      %cond3A_227 = arith.cmpi ne, %convert_element_type3A_225, %cond3A_226 : i32
      scf.if %cond3A_227 {
        %dma_wait3A_543 = arith.constant 4 : i32
        %dma_wait3A_544 = arith.constant 0 : i32
        %dma_wait3A_545 = arith.constant 0 : i32
        %dma_wait3A_546 = arith.constant 0 : i32
        %dma_wait3A_547 = tpu.memref_slice %arg6[%dma_wait3A_543, %dma_wait3A_545, %dma_wait3A_546] : memref<8x50x64xf32, #tpu.memory_space<vmem>> -> memref<1x50x64xf32, #tpu.memory_space<vmem>>
        %dma_wait3A_548 = tpu.memref_squeeze %dma_wait3A_547 : memref<1x50x64xf32, #tpu.memory_space<vmem>> -> memref<50x64xf32, #tpu.memory_space<vmem>>
        %dma_wait3A_549 = arith.constant 0 : i32
        %dma_wait3A_550 = arith.constant 0 : i32
        %dma_wait3A_551 = tpu.memref_slice %arg4[%dma_wait3A_544, %dma_wait3A_549, %dma_wait3A_550] : memref<16384x50x64xf32, #tpu.memory_space<hbm>> -> memref<1x50x64xf32, #tpu.memory_space<hbm>>
        %dma_wait3A_552 = tpu.memref_squeeze %dma_wait3A_551 : memref<1x50x64xf32, #tpu.memory_space<hbm>> -> memref<50x64xf32, #tpu.memory_space<hbm>>
        %dma_wait3A_553 = arith.constant 0 : i32
        %dma_wait3A_554 = arith.constant 0 : i32
        %dma_wait3A_555 = tpu.memref_slice %arg4[%dma_wait3A_544, %dma_wait3A_553, %dma_wait3A_554] : memref<16384x50x64xf32, #tpu.memory_space<hbm>> -> memref<1x50x64xf32, #tpu.memory_space<hbm>>
        %dma_wait3A_556 = tpu.memref_squeeze %dma_wait3A_555 : memref<1x50x64xf32, #tpu.memory_space<hbm>> -> memref<50x64xf32, #tpu.memory_space<hbm>>
        %dma_wait3A_557 = arith.constant 0 : i32
        %dma_wait3A_558 = arith.constant 0 : i32
        %dma_wait3A_559 = tpu.memref_slice %arg6[%dma_wait3A_543, %dma_wait3A_557, %dma_wait3A_558] : memref<8x50x64xf32, #tpu.memory_space<vmem>> -> memref<1x50x64xf32, #tpu.memory_space<vmem>>
        %dma_wait3A_560 = tpu.memref_squeeze %dma_wait3A_559 : memref<1x50x64xf32, #tpu.memory_space<vmem>> -> memref<50x64xf32, #tpu.memory_space<vmem>>
        tpu.wait_dma2 semaphore(%arg19 : memref<!tpu.dma_semaphore, #tpu.memory_space<semaphore_mem>>) src(%dma_wait3A_560 : memref<50x64xf32, #tpu.memory_space<vmem>>) dst(%dma_wait3A_556 : memref<50x64xf32, #tpu.memory_space<hbm>>)
      } else {
      }
      %add3A_228 = arith.constant 4 : i32
      %add3A_229 = arith.addi %add3A_154, %add3A_228 : i32
      %dma_start3A_230 = arith.constant 4 : i32
      %dma_start3A_231 = arith.constant 0 : i32
      %dma_start3A_232 = arith.constant 0 : i32
      %dma_start3A_233 = tpu.memref_slice %arg6[%dma_start3A_230, %dma_start3A_231, %dma_start3A_232] : memref<8x50x64xf32, #tpu.memory_space<vmem>> -> memref<1x50x64xf32, #tpu.memory_space<vmem>>
      %dma_start3A_234 = tpu.memref_squeeze %dma_start3A_233 : memref<1x50x64xf32, #tpu.memory_space<vmem>> -> memref<50x64xf32, #tpu.memory_space<vmem>>
      %dma_start3A_235 = arith.constant 0 : i32
      %dma_start3A_236 = tpu.memref_slice %arg5[%add3A_229, %dma_start3A_235] : memref<512x50xi32, #tpu.memory_space<vmem>> -> memref<1x50xi32, #tpu.memory_space<vmem>>
      %dma_start3A_237 = tpu.memref_squeeze %dma_start3A_236 : memref<1x50xi32, #tpu.memory_space<vmem>> -> memref<50xi32, #tpu.memory_space<vmem>>
      %dma_start3A_238 = arith.constant 0 : i32
      %dma_start3A_239 = arith.constant 0 : i32
      %dma_start3A_240 = tpu.memref_slice %arg3[%dma_start3A_238, %dma_start3A_239] : memref<1000000x64xf32, #tpu.memory_space<hbm>> -> memref<1000000x64xf32, #tpu.memory_space<hbm>>
      tpu.enqueue_indirect_dma source(%dma_start3A_240 : memref<1000000x64xf32, #tpu.memory_space<hbm>>) target(%dma_start3A_234 : memref<50x64xf32, #tpu.memory_space<vmem>>) offsets(%dma_start3A_237 : memref<50xi32, #tpu.memory_space<vmem>>) semaphore(%arg11 : memref<!tpu.dma_semaphore, #tpu.memory_space<semaphore_mem>>)
      %gt3A_241 = arith.constant 0 : i32
      %gt3A_242 = arith.cmpi sgt, %add3A_154, %gt3A_241 : i32
      %convert_element_type3A_243 = arith.extui %gt3A_242 : i1 to i32
      %cond3A_244 = arith.constant 0 : i32
      %cond3A_245 = arith.cmpi ne, %convert_element_type3A_243, %cond3A_244 : i32
      scf.if %cond3A_245 {
        %dma_wait3A_543 = arith.constant 5 : i32
        %dma_wait3A_544 = arith.constant 0 : i32
        %dma_wait3A_545 = arith.constant 0 : i32
        %dma_wait3A_546 = arith.constant 0 : i32
        %dma_wait3A_547 = tpu.memref_slice %arg6[%dma_wait3A_543, %dma_wait3A_545, %dma_wait3A_546] : memref<8x50x64xf32, #tpu.memory_space<vmem>> -> memref<1x50x64xf32, #tpu.memory_space<vmem>>
        %dma_wait3A_548 = tpu.memref_squeeze %dma_wait3A_547 : memref<1x50x64xf32, #tpu.memory_space<vmem>> -> memref<50x64xf32, #tpu.memory_space<vmem>>
        %dma_wait3A_549 = arith.constant 0 : i32
        %dma_wait3A_550 = arith.constant 0 : i32
        %dma_wait3A_551 = tpu.memref_slice %arg4[%dma_wait3A_544, %dma_wait3A_549, %dma_wait3A_550] : memref<16384x50x64xf32, #tpu.memory_space<hbm>> -> memref<1x50x64xf32, #tpu.memory_space<hbm>>
        %dma_wait3A_552 = tpu.memref_squeeze %dma_wait3A_551 : memref<1x50x64xf32, #tpu.memory_space<hbm>> -> memref<50x64xf32, #tpu.memory_space<hbm>>
        %dma_wait3A_553 = arith.constant 0 : i32
        %dma_wait3A_554 = arith.constant 0 : i32
        %dma_wait3A_555 = tpu.memref_slice %arg4[%dma_wait3A_544, %dma_wait3A_553, %dma_wait3A_554] : memref<16384x50x64xf32, #tpu.memory_space<hbm>> -> memref<1x50x64xf32, #tpu.memory_space<hbm>>
        %dma_wait3A_556 = tpu.memref_squeeze %dma_wait3A_555 : memref<1x50x64xf32, #tpu.memory_space<hbm>> -> memref<50x64xf32, #tpu.memory_space<hbm>>
        %dma_wait3A_557 = arith.constant 0 : i32
        %dma_wait3A_558 = arith.constant 0 : i32
        %dma_wait3A_559 = tpu.memref_slice %arg6[%dma_wait3A_543, %dma_wait3A_557, %dma_wait3A_558] : memref<8x50x64xf32, #tpu.memory_space<vmem>> -> memref<1x50x64xf32, #tpu.memory_space<vmem>>
        %dma_wait3A_560 = tpu.memref_squeeze %dma_wait3A_559 : memref<1x50x64xf32, #tpu.memory_space<vmem>> -> memref<50x64xf32, #tpu.memory_space<vmem>>
        tpu.wait_dma2 semaphore(%arg20 : memref<!tpu.dma_semaphore, #tpu.memory_space<semaphore_mem>>) src(%dma_wait3A_560 : memref<50x64xf32, #tpu.memory_space<vmem>>) dst(%dma_wait3A_556 : memref<50x64xf32, #tpu.memory_space<hbm>>)
      } else {
      }
      %add3A_246 = arith.constant 5 : i32
      %add3A_247 = arith.addi %add3A_154, %add3A_246 : i32
      %dma_start3A_248 = arith.constant 5 : i32
      %dma_start3A_249 = arith.constant 0 : i32
      %dma_start3A_250 = arith.constant 0 : i32
      %dma_start3A_251 = tpu.memref_slice %arg6[%dma_start3A_248, %dma_start3A_249, %dma_start3A_250] : memref<8x50x64xf32, #tpu.memory_space<vmem>> -> memref<1x50x64xf32, #tpu.memory_space<vmem>>
      %dma_start3A_252 = tpu.memref_squeeze %dma_start3A_251 : memref<1x50x64xf32, #tpu.memory_space<vmem>> -> memref<50x64xf32, #tpu.memory_space<vmem>>
      %dma_start3A_253 = arith.constant 0 : i32
      %dma_start3A_254 = tpu.memref_slice %arg5[%add3A_247, %dma_start3A_253] : memref<512x50xi32, #tpu.memory_space<vmem>> -> memref<1x50xi32, #tpu.memory_space<vmem>>
      %dma_start3A_255 = tpu.memref_squeeze %dma_start3A_254 : memref<1x50xi32, #tpu.memory_space<vmem>> -> memref<50xi32, #tpu.memory_space<vmem>>
      %dma_start3A_256 = arith.constant 0 : i32
      %dma_start3A_257 = arith.constant 0 : i32
      %dma_start3A_258 = tpu.memref_slice %arg3[%dma_start3A_256, %dma_start3A_257] : memref<1000000x64xf32, #tpu.memory_space<hbm>> -> memref<1000000x64xf32, #tpu.memory_space<hbm>>
      tpu.enqueue_indirect_dma source(%dma_start3A_258 : memref<1000000x64xf32, #tpu.memory_space<hbm>>) target(%dma_start3A_252 : memref<50x64xf32, #tpu.memory_space<vmem>>) offsets(%dma_start3A_255 : memref<50xi32, #tpu.memory_space<vmem>>) semaphore(%arg12 : memref<!tpu.dma_semaphore, #tpu.memory_space<semaphore_mem>>)
      %gt3A_259 = arith.constant 0 : i32
      %gt3A_260 = arith.cmpi sgt, %add3A_154, %gt3A_259 : i32
      %convert_element_type3A_261 = arith.extui %gt3A_260 : i1 to i32
      %cond3A_262 = arith.constant 0 : i32
      %cond3A_263 = arith.cmpi ne, %convert_element_type3A_261, %cond3A_262 : i32
      scf.if %cond3A_263 {
        %dma_wait3A_543 = arith.constant 6 : i32
        %dma_wait3A_544 = arith.constant 0 : i32
        %dma_wait3A_545 = arith.constant 0 : i32
        %dma_wait3A_546 = arith.constant 0 : i32
        %dma_wait3A_547 = tpu.memref_slice %arg6[%dma_wait3A_543, %dma_wait3A_545, %dma_wait3A_546] : memref<8x50x64xf32, #tpu.memory_space<vmem>> -> memref<1x50x64xf32, #tpu.memory_space<vmem>>
        %dma_wait3A_548 = tpu.memref_squeeze %dma_wait3A_547 : memref<1x50x64xf32, #tpu.memory_space<vmem>> -> memref<50x64xf32, #tpu.memory_space<vmem>>
        %dma_wait3A_549 = arith.constant 0 : i32
        %dma_wait3A_550 = arith.constant 0 : i32
        %dma_wait3A_551 = tpu.memref_slice %arg4[%dma_wait3A_544, %dma_wait3A_549, %dma_wait3A_550] : memref<16384x50x64xf32, #tpu.memory_space<hbm>> -> memref<1x50x64xf32, #tpu.memory_space<hbm>>
        %dma_wait3A_552 = tpu.memref_squeeze %dma_wait3A_551 : memref<1x50x64xf32, #tpu.memory_space<hbm>> -> memref<50x64xf32, #tpu.memory_space<hbm>>
        %dma_wait3A_553 = arith.constant 0 : i32
        %dma_wait3A_554 = arith.constant 0 : i32
        %dma_wait3A_555 = tpu.memref_slice %arg4[%dma_wait3A_544, %dma_wait3A_553, %dma_wait3A_554] : memref<16384x50x64xf32, #tpu.memory_space<hbm>> -> memref<1x50x64xf32, #tpu.memory_space<hbm>>
        %dma_wait3A_556 = tpu.memref_squeeze %dma_wait3A_555 : memref<1x50x64xf32, #tpu.memory_space<hbm>> -> memref<50x64xf32, #tpu.memory_space<hbm>>
        %dma_wait3A_557 = arith.constant 0 : i32
        %dma_wait3A_558 = arith.constant 0 : i32
        %dma_wait3A_559 = tpu.memref_slice %arg6[%dma_wait3A_543, %dma_wait3A_557, %dma_wait3A_558] : memref<8x50x64xf32, #tpu.memory_space<vmem>> -> memref<1x50x64xf32, #tpu.memory_space<vmem>>
        %dma_wait3A_560 = tpu.memref_squeeze %dma_wait3A_559 : memref<1x50x64xf32, #tpu.memory_space<vmem>> -> memref<50x64xf32, #tpu.memory_space<vmem>>
        tpu.wait_dma2 semaphore(%arg21 : memref<!tpu.dma_semaphore, #tpu.memory_space<semaphore_mem>>) src(%dma_wait3A_560 : memref<50x64xf32, #tpu.memory_space<vmem>>) dst(%dma_wait3A_556 : memref<50x64xf32, #tpu.memory_space<hbm>>)
      } else {
      }
      %add3A_264 = arith.constant 6 : i32
      %add3A_265 = arith.addi %add3A_154, %add3A_264 : i32
      %dma_start3A_266 = arith.constant 6 : i32
      %dma_start3A_267 = arith.constant 0 : i32
      %dma_start3A_268 = arith.constant 0 : i32
      %dma_start3A_269 = tpu.memref_slice %arg6[%dma_start3A_266, %dma_start3A_267, %dma_start3A_268] : memref<8x50x64xf32, #tpu.memory_space<vmem>> -> memref<1x50x64xf32, #tpu.memory_space<vmem>>
      %dma_start3A_270 = tpu.memref_squeeze %dma_start3A_269 : memref<1x50x64xf32, #tpu.memory_space<vmem>> -> memref<50x64xf32, #tpu.memory_space<vmem>>
      %dma_start3A_271 = arith.constant 0 : i32
      %dma_start3A_272 = tpu.memref_slice %arg5[%add3A_265, %dma_start3A_271] : memref<512x50xi32, #tpu.memory_space<vmem>> -> memref<1x50xi32, #tpu.memory_space<vmem>>
      %dma_start3A_273 = tpu.memref_squeeze %dma_start3A_272 : memref<1x50xi32, #tpu.memory_space<vmem>> -> memref<50xi32, #tpu.memory_space<vmem>>
      %dma_start3A_274 = arith.constant 0 : i32
      %dma_start3A_275 = arith.constant 0 : i32
      %dma_start3A_276 = tpu.memref_slice %arg3[%dma_start3A_274, %dma_start3A_275] : memref<1000000x64xf32, #tpu.memory_space<hbm>> -> memref<1000000x64xf32, #tpu.memory_space<hbm>>
      tpu.enqueue_indirect_dma source(%dma_start3A_276 : memref<1000000x64xf32, #tpu.memory_space<hbm>>) target(%dma_start3A_270 : memref<50x64xf32, #tpu.memory_space<vmem>>) offsets(%dma_start3A_273 : memref<50xi32, #tpu.memory_space<vmem>>) semaphore(%arg13 : memref<!tpu.dma_semaphore, #tpu.memory_space<semaphore_mem>>)
      %gt3A_277 = arith.constant 0 : i32
      %gt3A_278 = arith.cmpi sgt, %add3A_154, %gt3A_277 : i32
      %convert_element_type3A_279 = arith.extui %gt3A_278 : i1 to i32
      %cond3A_280 = arith.constant 0 : i32
      %cond3A_281 = arith.cmpi ne, %convert_element_type3A_279, %cond3A_280 : i32
      scf.if %cond3A_281 {
        %dma_wait3A_543 = arith.constant 7 : i32
        %dma_wait3A_544 = arith.constant 0 : i32
        %dma_wait3A_545 = arith.constant 0 : i32
        %dma_wait3A_546 = arith.constant 0 : i32
        %dma_wait3A_547 = tpu.memref_slice %arg6[%dma_wait3A_543, %dma_wait3A_545, %dma_wait3A_546] : memref<8x50x64xf32, #tpu.memory_space<vmem>> -> memref<1x50x64xf32, #tpu.memory_space<vmem>>
        %dma_wait3A_548 = tpu.memref_squeeze %dma_wait3A_547 : memref<1x50x64xf32, #tpu.memory_space<vmem>> -> memref<50x64xf32, #tpu.memory_space<vmem>>
        %dma_wait3A_549 = arith.constant 0 : i32
        %dma_wait3A_550 = arith.constant 0 : i32
        %dma_wait3A_551 = tpu.memref_slice %arg4[%dma_wait3A_544, %dma_wait3A_549, %dma_wait3A_550] : memref<16384x50x64xf32, #tpu.memory_space<hbm>> -> memref<1x50x64xf32, #tpu.memory_space<hbm>>
        %dma_wait3A_552 = tpu.memref_squeeze %dma_wait3A_551 : memref<1x50x64xf32, #tpu.memory_space<hbm>> -> memref<50x64xf32, #tpu.memory_space<hbm>>
        %dma_wait3A_553 = arith.constant 0 : i32
        %dma_wait3A_554 = arith.constant 0 : i32
        %dma_wait3A_555 = tpu.memref_slice %arg4[%dma_wait3A_544, %dma_wait3A_553, %dma_wait3A_554] : memref<16384x50x64xf32, #tpu.memory_space<hbm>> -> memref<1x50x64xf32, #tpu.memory_space<hbm>>
        %dma_wait3A_556 = tpu.memref_squeeze %dma_wait3A_555 : memref<1x50x64xf32, #tpu.memory_space<hbm>> -> memref<50x64xf32, #tpu.memory_space<hbm>>
        %dma_wait3A_557 = arith.constant 0 : i32
        %dma_wait3A_558 = arith.constant 0 : i32
        %dma_wait3A_559 = tpu.memref_slice %arg6[%dma_wait3A_543, %dma_wait3A_557, %dma_wait3A_558] : memref<8x50x64xf32, #tpu.memory_space<vmem>> -> memref<1x50x64xf32, #tpu.memory_space<vmem>>
        %dma_wait3A_560 = tpu.memref_squeeze %dma_wait3A_559 : memref<1x50x64xf32, #tpu.memory_space<vmem>> -> memref<50x64xf32, #tpu.memory_space<vmem>>
        tpu.wait_dma2 semaphore(%arg22 : memref<!tpu.dma_semaphore, #tpu.memory_space<semaphore_mem>>) src(%dma_wait3A_560 : memref<50x64xf32, #tpu.memory_space<vmem>>) dst(%dma_wait3A_556 : memref<50x64xf32, #tpu.memory_space<hbm>>)
      } else {
      }
      %add3A_282 = arith.constant 7 : i32
      %add3A_283 = arith.addi %add3A_154, %add3A_282 : i32
      %dma_start3A_284 = arith.constant 7 : i32
      %dma_start3A_285 = arith.constant 0 : i32
      %dma_start3A_286 = arith.constant 0 : i32
      %dma_start3A_287 = tpu.memref_slice %arg6[%dma_start3A_284, %dma_start3A_285, %dma_start3A_286] : memref<8x50x64xf32, #tpu.memory_space<vmem>> -> memref<1x50x64xf32, #tpu.memory_space<vmem>>
      %dma_start3A_288 = tpu.memref_squeeze %dma_start3A_287 : memref<1x50x64xf32, #tpu.memory_space<vmem>> -> memref<50x64xf32, #tpu.memory_space<vmem>>
      %dma_start3A_289 = arith.constant 0 : i32
      %dma_start3A_290 = tpu.memref_slice %arg5[%add3A_283, %dma_start3A_289] : memref<512x50xi32, #tpu.memory_space<vmem>> -> memref<1x50xi32, #tpu.memory_space<vmem>>
      %dma_start3A_291 = tpu.memref_squeeze %dma_start3A_290 : memref<1x50xi32, #tpu.memory_space<vmem>> -> memref<50xi32, #tpu.memory_space<vmem>>
      %dma_start3A_292 = arith.constant 0 : i32
      %dma_start3A_293 = arith.constant 0 : i32
      %dma_start3A_294 = tpu.memref_slice %arg3[%dma_start3A_292, %dma_start3A_293] : memref<1000000x64xf32, #tpu.memory_space<hbm>> -> memref<1000000x64xf32, #tpu.memory_space<hbm>>
      tpu.enqueue_indirect_dma source(%dma_start3A_294 : memref<1000000x64xf32, #tpu.memory_space<hbm>>) target(%dma_start3A_288 : memref<50x64xf32, #tpu.memory_space<vmem>>) offsets(%dma_start3A_291 : memref<50xi32, #tpu.memory_space<vmem>>) semaphore(%arg14 : memref<!tpu.dma_semaphore, #tpu.memory_space<semaphore_mem>>)
      %dma_wait3A_295 = arith.constant 0 : i32
      %dma_wait3A_296 = arith.constant 0 : i32
      %dma_wait3A_297 = arith.constant 0 : i32
      %dma_wait3A_298 = tpu.memref_slice %arg6[%dma_wait3A_295, %dma_wait3A_296, %dma_wait3A_297] : memref<8x50x64xf32, #tpu.memory_space<vmem>> -> memref<1x50x64xf32, #tpu.memory_space<vmem>>
      %dma_wait3A_299 = tpu.memref_squeeze %dma_wait3A_298 : memref<1x50x64xf32, #tpu.memory_space<vmem>> -> memref<50x64xf32, #tpu.memory_space<vmem>>
      %dma_wait3A_300 = arith.constant 0 : i32
      %dma_wait3A_301 = tpu.memref_slice %arg5[%add3A_158, %dma_wait3A_300] : memref<512x50xi32, #tpu.memory_space<vmem>> -> memref<1x50xi32, #tpu.memory_space<vmem>>
      %dma_wait3A_302 = tpu.memref_squeeze %dma_wait3A_301 : memref<1x50xi32, #tpu.memory_space<vmem>> -> memref<50xi32, #tpu.memory_space<vmem>>
      %dma_wait3A_303 = arith.constant 0 : i32
      %dma_wait3A_304 = arith.constant 0 : i32
      %dma_wait3A_305 = tpu.memref_slice %arg3[%dma_wait3A_303, %dma_wait3A_304] : memref<1000000x64xf32, #tpu.memory_space<hbm>> -> memref<1000000x64xf32, #tpu.memory_space<hbm>>
      tpu.wait_indirect_dma semaphore(%arg7 : memref<!tpu.dma_semaphore, #tpu.memory_space<semaphore_mem>>) src(%dma_wait3A_305 : memref<1000000x64xf32, #tpu.memory_space<hbm>>) dst(%dma_wait3A_299 : memref<50x64xf32, #tpu.memory_space<vmem>>)
      %add3A_306 = arith.addi %mul3A_2, %add3A_154 : i32
      %add3A_307 = arith.constant 0 : i32
      %add3A_308 = arith.addi %add3A_306, %add3A_307 : i32
      %dma_start3A_309 = arith.constant 0 : i32
      %dma_start3A_310 = arith.constant 0 : i32
      %dma_start3A_311 = arith.constant 0 : i32
      %dma_start3A_312 = tpu.memref_slice %arg6[%dma_start3A_309, %dma_start3A_310, %dma_start3A_311] : memref<8x50x64xf32, #tpu.memory_space<vmem>> -> memref<1x50x64xf32, #tpu.memory_space<vmem>>
      %dma_start3A_313 = tpu.memref_squeeze %dma_start3A_312 : memref<1x50x64xf32, #tpu.memory_space<vmem>> -> memref<50x64xf32, #tpu.memory_space<vmem>>
      %dma_start3A_314 = arith.constant 0 : i32
      %dma_start3A_315 = arith.constant 0 : i32
      %dma_start3A_316 = tpu.memref_slice %arg4[%add3A_308, %dma_start3A_314, %dma_start3A_315] : memref<16384x50x64xf32, #tpu.memory_space<hbm>> -> memref<1x50x64xf32, #tpu.memory_space<hbm>>
      %dma_start3A_317 = tpu.memref_squeeze %dma_start3A_316 : memref<1x50x64xf32, #tpu.memory_space<hbm>> -> memref<50x64xf32, #tpu.memory_space<hbm>>
      %dma_start3A_318 = arith.constant 0 : i32
      %dma_start3A_319 = arith.constant 0 : i32
      %dma_start3A_320 = tpu.memref_slice %arg4[%add3A_308, %dma_start3A_318, %dma_start3A_319] : memref<16384x50x64xf32, #tpu.memory_space<hbm>> -> memref<1x50x64xf32, #tpu.memory_space<hbm>>
      %dma_start3A_321 = tpu.memref_squeeze %dma_start3A_320 : memref<1x50x64xf32, #tpu.memory_space<hbm>> -> memref<50x64xf32, #tpu.memory_space<hbm>>
      %dma_start3A_322 = arith.constant 0 : i32
      %dma_start3A_323 = arith.constant 0 : i32
      %dma_start3A_324 = tpu.memref_slice %arg6[%dma_start3A_309, %dma_start3A_322, %dma_start3A_323] : memref<8x50x64xf32, #tpu.memory_space<vmem>> -> memref<1x50x64xf32, #tpu.memory_space<vmem>>
      %dma_start3A_325 = tpu.memref_squeeze %dma_start3A_324 : memref<1x50x64xf32, #tpu.memory_space<vmem>> -> memref<50x64xf32, #tpu.memory_space<vmem>>
      tpu.enqueue_dma source(%dma_start3A_325 : memref<50x64xf32, #tpu.memory_space<vmem>>) target(%dma_start3A_321 : memref<50x64xf32, #tpu.memory_space<hbm>>) target_semaphore(%arg15 : memref<!tpu.dma_semaphore, #tpu.memory_space<semaphore_mem>>)
      %dma_wait3A_326 = arith.constant 1 : i32
      %dma_wait3A_327 = arith.constant 0 : i32
      %dma_wait3A_328 = arith.constant 0 : i32
      %dma_wait3A_329 = tpu.memref_slice %arg6[%dma_wait3A_326, %dma_wait3A_327, %dma_wait3A_328] : memref<8x50x64xf32, #tpu.memory_space<vmem>> -> memref<1x50x64xf32, #tpu.memory_space<vmem>>
      %dma_wait3A_330 = tpu.memref_squeeze %dma_wait3A_329 : memref<1x50x64xf32, #tpu.memory_space<vmem>> -> memref<50x64xf32, #tpu.memory_space<vmem>>
      %dma_wait3A_331 = arith.constant 0 : i32
      %dma_wait3A_332 = tpu.memref_slice %arg5[%add3A_175, %dma_wait3A_331] : memref<512x50xi32, #tpu.memory_space<vmem>> -> memref<1x50xi32, #tpu.memory_space<vmem>>
      %dma_wait3A_333 = tpu.memref_squeeze %dma_wait3A_332 : memref<1x50xi32, #tpu.memory_space<vmem>> -> memref<50xi32, #tpu.memory_space<vmem>>
      %dma_wait3A_334 = arith.constant 0 : i32
      %dma_wait3A_335 = arith.constant 0 : i32
      %dma_wait3A_336 = tpu.memref_slice %arg3[%dma_wait3A_334, %dma_wait3A_335] : memref<1000000x64xf32, #tpu.memory_space<hbm>> -> memref<1000000x64xf32, #tpu.memory_space<hbm>>
      tpu.wait_indirect_dma semaphore(%arg8 : memref<!tpu.dma_semaphore, #tpu.memory_space<semaphore_mem>>) src(%dma_wait3A_336 : memref<1000000x64xf32, #tpu.memory_space<hbm>>) dst(%dma_wait3A_330 : memref<50x64xf32, #tpu.memory_space<vmem>>)
      %add3A_337 = arith.addi %mul3A_2, %add3A_154 : i32
      %add3A_338 = arith.constant 1 : i32
      %add3A_339 = arith.addi %add3A_337, %add3A_338 : i32
      %dma_start3A_340 = arith.constant 1 : i32
      %dma_start3A_341 = arith.constant 0 : i32
      %dma_start3A_342 = arith.constant 0 : i32
      %dma_start3A_343 = tpu.memref_slice %arg6[%dma_start3A_340, %dma_start3A_341, %dma_start3A_342] : memref<8x50x64xf32, #tpu.memory_space<vmem>> -> memref<1x50x64xf32, #tpu.memory_space<vmem>>
      %dma_start3A_344 = tpu.memref_squeeze %dma_start3A_343 : memref<1x50x64xf32, #tpu.memory_space<vmem>> -> memref<50x64xf32, #tpu.memory_space<vmem>>
      %dma_start3A_345 = arith.constant 0 : i32
      %dma_start3A_346 = arith.constant 0 : i32
      %dma_start3A_347 = tpu.memref_slice %arg4[%add3A_339, %dma_start3A_345, %dma_start3A_346] : memref<16384x50x64xf32, #tpu.memory_space<hbm>> -> memref<1x50x64xf32, #tpu.memory_space<hbm>>
      %dma_start3A_348 = tpu.memref_squeeze %dma_start3A_347 : memref<1x50x64xf32, #tpu.memory_space<hbm>> -> memref<50x64xf32, #tpu.memory_space<hbm>>
      %dma_start3A_349 = arith.constant 0 : i32
      %dma_start3A_350 = arith.constant 0 : i32
      %dma_start3A_351 = tpu.memref_slice %arg4[%add3A_339, %dma_start3A_349, %dma_start3A_350] : memref<16384x50x64xf32, #tpu.memory_space<hbm>> -> memref<1x50x64xf32, #tpu.memory_space<hbm>>
      %dma_start3A_352 = tpu.memref_squeeze %dma_start3A_351 : memref<1x50x64xf32, #tpu.memory_space<hbm>> -> memref<50x64xf32, #tpu.memory_space<hbm>>
      %dma_start3A_353 = arith.constant 0 : i32
      %dma_start3A_354 = arith.constant 0 : i32
      %dma_start3A_355 = tpu.memref_slice %arg6[%dma_start3A_340, %dma_start3A_353, %dma_start3A_354] : memref<8x50x64xf32, #tpu.memory_space<vmem>> -> memref<1x50x64xf32, #tpu.memory_space<vmem>>
      %dma_start3A_356 = tpu.memref_squeeze %dma_start3A_355 : memref<1x50x64xf32, #tpu.memory_space<vmem>> -> memref<50x64xf32, #tpu.memory_space<vmem>>
      tpu.enqueue_dma source(%dma_start3A_356 : memref<50x64xf32, #tpu.memory_space<vmem>>) target(%dma_start3A_352 : memref<50x64xf32, #tpu.memory_space<hbm>>) target_semaphore(%arg16 : memref<!tpu.dma_semaphore, #tpu.memory_space<semaphore_mem>>)
      %dma_wait3A_357 = arith.constant 2 : i32
      %dma_wait3A_358 = arith.constant 0 : i32
      %dma_wait3A_359 = arith.constant 0 : i32
      %dma_wait3A_360 = tpu.memref_slice %arg6[%dma_wait3A_357, %dma_wait3A_358, %dma_wait3A_359] : memref<8x50x64xf32, #tpu.memory_space<vmem>> -> memref<1x50x64xf32, #tpu.memory_space<vmem>>
      %dma_wait3A_361 = tpu.memref_squeeze %dma_wait3A_360 : memref<1x50x64xf32, #tpu.memory_space<vmem>> -> memref<50x64xf32, #tpu.memory_space<vmem>>
      %dma_wait3A_362 = arith.constant 0 : i32
      %dma_wait3A_363 = tpu.memref_slice %arg5[%add3A_193, %dma_wait3A_362] : memref<512x50xi32, #tpu.memory_space<vmem>> -> memref<1x50xi32, #tpu.memory_space<vmem>>
      %dma_wait3A_364 = tpu.memref_squeeze %dma_wait3A_363 : memref<1x50xi32, #tpu.memory_space<vmem>> -> memref<50xi32, #tpu.memory_space<vmem>>
      %dma_wait3A_365 = arith.constant 0 : i32
      %dma_wait3A_366 = arith.constant 0 : i32
      %dma_wait3A_367 = tpu.memref_slice %arg3[%dma_wait3A_365, %dma_wait3A_366] : memref<1000000x64xf32, #tpu.memory_space<hbm>> -> memref<1000000x64xf32, #tpu.memory_space<hbm>>
      tpu.wait_indirect_dma semaphore(%arg9 : memref<!tpu.dma_semaphore, #tpu.memory_space<semaphore_mem>>) src(%dma_wait3A_367 : memref<1000000x64xf32, #tpu.memory_space<hbm>>) dst(%dma_wait3A_361 : memref<50x64xf32, #tpu.memory_space<vmem>>)
      %add3A_368 = arith.addi %mul3A_2, %add3A_154 : i32
      %add3A_369 = arith.constant 2 : i32
      %add3A_370 = arith.addi %add3A_368, %add3A_369 : i32
      %dma_start3A_371 = arith.constant 2 : i32
      %dma_start3A_372 = arith.constant 0 : i32
      %dma_start3A_373 = arith.constant 0 : i32
      %dma_start3A_374 = tpu.memref_slice %arg6[%dma_start3A_371, %dma_start3A_372, %dma_start3A_373] : memref<8x50x64xf32, #tpu.memory_space<vmem>> -> memref<1x50x64xf32, #tpu.memory_space<vmem>>
      %dma_start3A_375 = tpu.memref_squeeze %dma_start3A_374 : memref<1x50x64xf32, #tpu.memory_space<vmem>> -> memref<50x64xf32, #tpu.memory_space<vmem>>
      %dma_start3A_376 = arith.constant 0 : i32
      %dma_start3A_377 = arith.constant 0 : i32
      %dma_start3A_378 = tpu.memref_slice %arg4[%add3A_370, %dma_start3A_376, %dma_start3A_377] : memref<16384x50x64xf32, #tpu.memory_space<hbm>> -> memref<1x50x64xf32, #tpu.memory_space<hbm>>
      %dma_start3A_379 = tpu.memref_squeeze %dma_start3A_378 : memref<1x50x64xf32, #tpu.memory_space<hbm>> -> memref<50x64xf32, #tpu.memory_space<hbm>>
      %dma_start3A_380 = arith.constant 0 : i32
      %dma_start3A_381 = arith.constant 0 : i32
      %dma_start3A_382 = tpu.memref_slice %arg4[%add3A_370, %dma_start3A_380, %dma_start3A_381] : memref<16384x50x64xf32, #tpu.memory_space<hbm>> -> memref<1x50x64xf32, #tpu.memory_space<hbm>>
      %dma_start3A_383 = tpu.memref_squeeze %dma_start3A_382 : memref<1x50x64xf32, #tpu.memory_space<hbm>> -> memref<50x64xf32, #tpu.memory_space<hbm>>
      %dma_start3A_384 = arith.constant 0 : i32
      %dma_start3A_385 = arith.constant 0 : i32
      %dma_start3A_386 = tpu.memref_slice %arg6[%dma_start3A_371, %dma_start3A_384, %dma_start3A_385] : memref<8x50x64xf32, #tpu.memory_space<vmem>> -> memref<1x50x64xf32, #tpu.memory_space<vmem>>
      %dma_start3A_387 = tpu.memref_squeeze %dma_start3A_386 : memref<1x50x64xf32, #tpu.memory_space<vmem>> -> memref<50x64xf32, #tpu.memory_space<vmem>>
      tpu.enqueue_dma source(%dma_start3A_387 : memref<50x64xf32, #tpu.memory_space<vmem>>) target(%dma_start3A_383 : memref<50x64xf32, #tpu.memory_space<hbm>>) target_semaphore(%arg17 : memref<!tpu.dma_semaphore, #tpu.memory_space<semaphore_mem>>)
      %dma_wait3A_388 = arith.constant 3 : i32
      %dma_wait3A_389 = arith.constant 0 : i32
      %dma_wait3A_390 = arith.constant 0 : i32
      %dma_wait3A_391 = tpu.memref_slice %arg6[%dma_wait3A_388, %dma_wait3A_389, %dma_wait3A_390] : memref<8x50x64xf32, #tpu.memory_space<vmem>> -> memref<1x50x64xf32, #tpu.memory_space<vmem>>
      %dma_wait3A_392 = tpu.memref_squeeze %dma_wait3A_391 : memref<1x50x64xf32, #tpu.memory_space<vmem>> -> memref<50x64xf32, #tpu.memory_space<vmem>>
      %dma_wait3A_393 = arith.constant 0 : i32
      %dma_wait3A_394 = tpu.memref_slice %arg5[%add3A_211, %dma_wait3A_393] : memref<512x50xi32, #tpu.memory_space<vmem>> -> memref<1x50xi32, #tpu.memory_space<vmem>>
      %dma_wait3A_395 = tpu.memref_squeeze %dma_wait3A_394 : memref<1x50xi32, #tpu.memory_space<vmem>> -> memref<50xi32, #tpu.memory_space<vmem>>
      %dma_wait3A_396 = arith.constant 0 : i32
      %dma_wait3A_397 = arith.constant 0 : i32
      %dma_wait3A_398 = tpu.memref_slice %arg3[%dma_wait3A_396, %dma_wait3A_397] : memref<1000000x64xf32, #tpu.memory_space<hbm>> -> memref<1000000x64xf32, #tpu.memory_space<hbm>>
      tpu.wait_indirect_dma semaphore(%arg10 : memref<!tpu.dma_semaphore, #tpu.memory_space<semaphore_mem>>) src(%dma_wait3A_398 : memref<1000000x64xf32, #tpu.memory_space<hbm>>) dst(%dma_wait3A_392 : memref<50x64xf32, #tpu.memory_space<vmem>>)
      %add3A_399 = arith.addi %mul3A_2, %add3A_154 : i32
      %add3A_400 = arith.constant 3 : i32
      %add3A_401 = arith.addi %add3A_399, %add3A_400 : i32
      %dma_start3A_402 = arith.constant 3 : i32
      %dma_start3A_403 = arith.constant 0 : i32
      %dma_start3A_404 = arith.constant 0 : i32
      %dma_start3A_405 = tpu.memref_slice %arg6[%dma_start3A_402, %dma_start3A_403, %dma_start3A_404] : memref<8x50x64xf32, #tpu.memory_space<vmem>> -> memref<1x50x64xf32, #tpu.memory_space<vmem>>
      %dma_start3A_406 = tpu.memref_squeeze %dma_start3A_405 : memref<1x50x64xf32, #tpu.memory_space<vmem>> -> memref<50x64xf32, #tpu.memory_space<vmem>>
      %dma_start3A_407 = arith.constant 0 : i32
      %dma_start3A_408 = arith.constant 0 : i32
      %dma_start3A_409 = tpu.memref_slice %arg4[%add3A_401, %dma_start3A_407, %dma_start3A_408] : memref<16384x50x64xf32, #tpu.memory_space<hbm>> -> memref<1x50x64xf32, #tpu.memory_space<hbm>>
      %dma_start3A_410 = tpu.memref_squeeze %dma_start3A_409 : memref<1x50x64xf32, #tpu.memory_space<hbm>> -> memref<50x64xf32, #tpu.memory_space<hbm>>
      %dma_start3A_411 = arith.constant 0 : i32
      %dma_start3A_412 = arith.constant 0 : i32
      %dma_start3A_413 = tpu.memref_slice %arg4[%add3A_401, %dma_start3A_411, %dma_start3A_412] : memref<16384x50x64xf32, #tpu.memory_space<hbm>> -> memref<1x50x64xf32, #tpu.memory_space<hbm>>
      %dma_start3A_414 = tpu.memref_squeeze %dma_start3A_413 : memref<1x50x64xf32, #tpu.memory_space<hbm>> -> memref<50x64xf32, #tpu.memory_space<hbm>>
      %dma_start3A_415 = arith.constant 0 : i32
      %dma_start3A_416 = arith.constant 0 : i32
      %dma_start3A_417 = tpu.memref_slice %arg6[%dma_start3A_402, %dma_start3A_415, %dma_start3A_416] : memref<8x50x64xf32, #tpu.memory_space<vmem>> -> memref<1x50x64xf32, #tpu.memory_space<vmem>>
      %dma_start3A_418 = tpu.memref_squeeze %dma_start3A_417 : memref<1x50x64xf32, #tpu.memory_space<vmem>> -> memref<50x64xf32, #tpu.memory_space<vmem>>
      tpu.enqueue_dma source(%dma_start3A_418 : memref<50x64xf32, #tpu.memory_space<vmem>>) target(%dma_start3A_414 : memref<50x64xf32, #tpu.memory_space<hbm>>) target_semaphore(%arg18 : memref<!tpu.dma_semaphore, #tpu.memory_space<semaphore_mem>>)
      %dma_wait3A_419 = arith.constant 4 : i32
      %dma_wait3A_420 = arith.constant 0 : i32
      %dma_wait3A_421 = arith.constant 0 : i32
      %dma_wait3A_422 = tpu.memref_slice %arg6[%dma_wait3A_419, %dma_wait3A_420, %dma_wait3A_421] : memref<8x50x64xf32, #tpu.memory_space<vmem>> -> memref<1x50x64xf32, #tpu.memory_space<vmem>>
      %dma_wait3A_423 = tpu.memref_squeeze %dma_wait3A_422 : memref<1x50x64xf32, #tpu.memory_space<vmem>> -> memref<50x64xf32, #tpu.memory_space<vmem>>
      %dma_wait3A_424 = arith.constant 0 : i32
      %dma_wait3A_425 = tpu.memref_slice %arg5[%add3A_229, %dma_wait3A_424] : memref<512x50xi32, #tpu.memory_space<vmem>> -> memref<1x50xi32, #tpu.memory_space<vmem>>
      %dma_wait3A_426 = tpu.memref_squeeze %dma_wait3A_425 : memref<1x50xi32, #tpu.memory_space<vmem>> -> memref<50xi32, #tpu.memory_space<vmem>>
      %dma_wait3A_427 = arith.constant 0 : i32
      %dma_wait3A_428 = arith.constant 0 : i32
      %dma_wait3A_429 = tpu.memref_slice %arg3[%dma_wait3A_427, %dma_wait3A_428] : memref<1000000x64xf32, #tpu.memory_space<hbm>> -> memref<1000000x64xf32, #tpu.memory_space<hbm>>
      tpu.wait_indirect_dma semaphore(%arg11 : memref<!tpu.dma_semaphore, #tpu.memory_space<semaphore_mem>>) src(%dma_wait3A_429 : memref<1000000x64xf32, #tpu.memory_space<hbm>>) dst(%dma_wait3A_423 : memref<50x64xf32, #tpu.memory_space<vmem>>)
      %add3A_430 = arith.addi %mul3A_2, %add3A_154 : i32
      %add3A_431 = arith.constant 4 : i32
      %add3A_432 = arith.addi %add3A_430, %add3A_431 : i32
      %dma_start3A_433 = arith.constant 4 : i32
      %dma_start3A_434 = arith.constant 0 : i32
      %dma_start3A_435 = arith.constant 0 : i32
      %dma_start3A_436 = tpu.memref_slice %arg6[%dma_start3A_433, %dma_start3A_434, %dma_start3A_435] : memref<8x50x64xf32, #tpu.memory_space<vmem>> -> memref<1x50x64xf32, #tpu.memory_space<vmem>>
      %dma_start3A_437 = tpu.memref_squeeze %dma_start3A_436 : memref<1x50x64xf32, #tpu.memory_space<vmem>> -> memref<50x64xf32, #tpu.memory_space<vmem>>
      %dma_start3A_438 = arith.constant 0 : i32
      %dma_start3A_439 = arith.constant 0 : i32
      %dma_start3A_440 = tpu.memref_slice %arg4[%add3A_432, %dma_start3A_438, %dma_start3A_439] : memref<16384x50x64xf32, #tpu.memory_space<hbm>> -> memref<1x50x64xf32, #tpu.memory_space<hbm>>
      %dma_start3A_441 = tpu.memref_squeeze %dma_start3A_440 : memref<1x50x64xf32, #tpu.memory_space<hbm>> -> memref<50x64xf32, #tpu.memory_space<hbm>>
      %dma_start3A_442 = arith.constant 0 : i32
      %dma_start3A_443 = arith.constant 0 : i32
      %dma_start3A_444 = tpu.memref_slice %arg4[%add3A_432, %dma_start3A_442, %dma_start3A_443] : memref<16384x50x64xf32, #tpu.memory_space<hbm>> -> memref<1x50x64xf32, #tpu.memory_space<hbm>>
      %dma_start3A_445 = tpu.memref_squeeze %dma_start3A_444 : memref<1x50x64xf32, #tpu.memory_space<hbm>> -> memref<50x64xf32, #tpu.memory_space<hbm>>
      %dma_start3A_446 = arith.constant 0 : i32
      %dma_start3A_447 = arith.constant 0 : i32
      %dma_start3A_448 = tpu.memref_slice %arg6[%dma_start3A_433, %dma_start3A_446, %dma_start3A_447] : memref<8x50x64xf32, #tpu.memory_space<vmem>> -> memref<1x50x64xf32, #tpu.memory_space<vmem>>
      %dma_start3A_449 = tpu.memref_squeeze %dma_start3A_448 : memref<1x50x64xf32, #tpu.memory_space<vmem>> -> memref<50x64xf32, #tpu.memory_space<vmem>>
      tpu.enqueue_dma source(%dma_start3A_449 : memref<50x64xf32, #tpu.memory_space<vmem>>) target(%dma_start3A_445 : memref<50x64xf32, #tpu.memory_space<hbm>>) target_semaphore(%arg19 : memref<!tpu.dma_semaphore, #tpu.memory_space<semaphore_mem>>)
      %dma_wait3A_450 = arith.constant 5 : i32
      %dma_wait3A_451 = arith.constant 0 : i32
      %dma_wait3A_452 = arith.constant 0 : i32
      %dma_wait3A_453 = tpu.memref_slice %arg6[%dma_wait3A_450, %dma_wait3A_451, %dma_wait3A_452] : memref<8x50x64xf32, #tpu.memory_space<vmem>> -> memref<1x50x64xf32, #tpu.memory_space<vmem>>
      %dma_wait3A_454 = tpu.memref_squeeze %dma_wait3A_453 : memref<1x50x64xf32, #tpu.memory_space<vmem>> -> memref<50x64xf32, #tpu.memory_space<vmem>>
      %dma_wait3A_455 = arith.constant 0 : i32
      %dma_wait3A_456 = tpu.memref_slice %arg5[%add3A_247, %dma_wait3A_455] : memref<512x50xi32, #tpu.memory_space<vmem>> -> memref<1x50xi32, #tpu.memory_space<vmem>>
      %dma_wait3A_457 = tpu.memref_squeeze %dma_wait3A_456 : memref<1x50xi32, #tpu.memory_space<vmem>> -> memref<50xi32, #tpu.memory_space<vmem>>
      %dma_wait3A_458 = arith.constant 0 : i32
      %dma_wait3A_459 = arith.constant 0 : i32
      %dma_wait3A_460 = tpu.memref_slice %arg3[%dma_wait3A_458, %dma_wait3A_459] : memref<1000000x64xf32, #tpu.memory_space<hbm>> -> memref<1000000x64xf32, #tpu.memory_space<hbm>>
      tpu.wait_indirect_dma semaphore(%arg12 : memref<!tpu.dma_semaphore, #tpu.memory_space<semaphore_mem>>) src(%dma_wait3A_460 : memref<1000000x64xf32, #tpu.memory_space<hbm>>) dst(%dma_wait3A_454 : memref<50x64xf32, #tpu.memory_space<vmem>>)
      %add3A_461 = arith.addi %mul3A_2, %add3A_154 : i32
      %add3A_462 = arith.constant 5 : i32
      %add3A_463 = arith.addi %add3A_461, %add3A_462 : i32
      %dma_start3A_464 = arith.constant 5 : i32
      %dma_start3A_465 = arith.constant 0 : i32
      %dma_start3A_466 = arith.constant 0 : i32
      %dma_start3A_467 = tpu.memref_slice %arg6[%dma_start3A_464, %dma_start3A_465, %dma_start3A_466] : memref<8x50x64xf32, #tpu.memory_space<vmem>> -> memref<1x50x64xf32, #tpu.memory_space<vmem>>
      %dma_start3A_468 = tpu.memref_squeeze %dma_start3A_467 : memref<1x50x64xf32, #tpu.memory_space<vmem>> -> memref<50x64xf32, #tpu.memory_space<vmem>>
      %dma_start3A_469 = arith.constant 0 : i32
      %dma_start3A_470 = arith.constant 0 : i32
      %dma_start3A_471 = tpu.memref_slice %arg4[%add3A_463, %dma_start3A_469, %dma_start3A_470] : memref<16384x50x64xf32, #tpu.memory_space<hbm>> -> memref<1x50x64xf32, #tpu.memory_space<hbm>>
      %dma_start3A_472 = tpu.memref_squeeze %dma_start3A_471 : memref<1x50x64xf32, #tpu.memory_space<hbm>> -> memref<50x64xf32, #tpu.memory_space<hbm>>
      %dma_start3A_473 = arith.constant 0 : i32
      %dma_start3A_474 = arith.constant 0 : i32
      %dma_start3A_475 = tpu.memref_slice %arg4[%add3A_463, %dma_start3A_473, %dma_start3A_474] : memref<16384x50x64xf32, #tpu.memory_space<hbm>> -> memref<1x50x64xf32, #tpu.memory_space<hbm>>
      %dma_start3A_476 = tpu.memref_squeeze %dma_start3A_475 : memref<1x50x64xf32, #tpu.memory_space<hbm>> -> memref<50x64xf32, #tpu.memory_space<hbm>>
      %dma_start3A_477 = arith.constant 0 : i32
      %dma_start3A_478 = arith.constant 0 : i32
      %dma_start3A_479 = tpu.memref_slice %arg6[%dma_start3A_464, %dma_start3A_477, %dma_start3A_478] : memref<8x50x64xf32, #tpu.memory_space<vmem>> -> memref<1x50x64xf32, #tpu.memory_space<vmem>>
      %dma_start3A_480 = tpu.memref_squeeze %dma_start3A_479 : memref<1x50x64xf32, #tpu.memory_space<vmem>> -> memref<50x64xf32, #tpu.memory_space<vmem>>
      tpu.enqueue_dma source(%dma_start3A_480 : memref<50x64xf32, #tpu.memory_space<vmem>>) target(%dma_start3A_476 : memref<50x64xf32, #tpu.memory_space<hbm>>) target_semaphore(%arg20 : memref<!tpu.dma_semaphore, #tpu.memory_space<semaphore_mem>>)
      %dma_wait3A_481 = arith.constant 6 : i32
      %dma_wait3A_482 = arith.constant 0 : i32
      %dma_wait3A_483 = arith.constant 0 : i32
      %dma_wait3A_484 = tpu.memref_slice %arg6[%dma_wait3A_481, %dma_wait3A_482, %dma_wait3A_483] : memref<8x50x64xf32, #tpu.memory_space<vmem>> -> memref<1x50x64xf32, #tpu.memory_space<vmem>>
      %dma_wait3A_485 = tpu.memref_squeeze %dma_wait3A_484 : memref<1x50x64xf32, #tpu.memory_space<vmem>> -> memref<50x64xf32, #tpu.memory_space<vmem>>
      %dma_wait3A_486 = arith.constant 0 : i32
      %dma_wait3A_487 = tpu.memref_slice %arg5[%add3A_265, %dma_wait3A_486] : memref<512x50xi32, #tpu.memory_space<vmem>> -> memref<1x50xi32, #tpu.memory_space<vmem>>
      %dma_wait3A_488 = tpu.memref_squeeze %dma_wait3A_487 : memref<1x50xi32, #tpu.memory_space<vmem>> -> memref<50xi32, #tpu.memory_space<vmem>>
      %dma_wait3A_489 = arith.constant 0 : i32
      %dma_wait3A_490 = arith.constant 0 : i32
      %dma_wait3A_491 = tpu.memref_slice %arg3[%dma_wait3A_489, %dma_wait3A_490] : memref<1000000x64xf32, #tpu.memory_space<hbm>> -> memref<1000000x64xf32, #tpu.memory_space<hbm>>
      tpu.wait_indirect_dma semaphore(%arg13 : memref<!tpu.dma_semaphore, #tpu.memory_space<semaphore_mem>>) src(%dma_wait3A_491 : memref<1000000x64xf32, #tpu.memory_space<hbm>>) dst(%dma_wait3A_485 : memref<50x64xf32, #tpu.memory_space<vmem>>)
      %add3A_492 = arith.addi %mul3A_2, %add3A_154 : i32
      %add3A_493 = arith.constant 6 : i32
      %add3A_494 = arith.addi %add3A_492, %add3A_493 : i32
      %dma_start3A_495 = arith.constant 6 : i32
      %dma_start3A_496 = arith.constant 0 : i32
      %dma_start3A_497 = arith.constant 0 : i32
      %dma_start3A_498 = tpu.memref_slice %arg6[%dma_start3A_495, %dma_start3A_496, %dma_start3A_497] : memref<8x50x64xf32, #tpu.memory_space<vmem>> -> memref<1x50x64xf32, #tpu.memory_space<vmem>>
      %dma_start3A_499 = tpu.memref_squeeze %dma_start3A_498 : memref<1x50x64xf32, #tpu.memory_space<vmem>> -> memref<50x64xf32, #tpu.memory_space<vmem>>
      %dma_start3A_500 = arith.constant 0 : i32
      %dma_start3A_501 = arith.constant 0 : i32
      %dma_start3A_502 = tpu.memref_slice %arg4[%add3A_494, %dma_start3A_500, %dma_start3A_501] : memref<16384x50x64xf32, #tpu.memory_space<hbm>> -> memref<1x50x64xf32, #tpu.memory_space<hbm>>
      %dma_start3A_503 = tpu.memref_squeeze %dma_start3A_502 : memref<1x50x64xf32, #tpu.memory_space<hbm>> -> memref<50x64xf32, #tpu.memory_space<hbm>>
      %dma_start3A_504 = arith.constant 0 : i32
      %dma_start3A_505 = arith.constant 0 : i32
      %dma_start3A_506 = tpu.memref_slice %arg4[%add3A_494, %dma_start3A_504, %dma_start3A_505] : memref<16384x50x64xf32, #tpu.memory_space<hbm>> -> memref<1x50x64xf32, #tpu.memory_space<hbm>>
      %dma_start3A_507 = tpu.memref_squeeze %dma_start3A_506 : memref<1x50x64xf32, #tpu.memory_space<hbm>> -> memref<50x64xf32, #tpu.memory_space<hbm>>
      %dma_start3A_508 = arith.constant 0 : i32
      %dma_start3A_509 = arith.constant 0 : i32
      %dma_start3A_510 = tpu.memref_slice %arg6[%dma_start3A_495, %dma_start3A_508, %dma_start3A_509] : memref<8x50x64xf32, #tpu.memory_space<vmem>> -> memref<1x50x64xf32, #tpu.memory_space<vmem>>
      %dma_start3A_511 = tpu.memref_squeeze %dma_start3A_510 : memref<1x50x64xf32, #tpu.memory_space<vmem>> -> memref<50x64xf32, #tpu.memory_space<vmem>>
      tpu.enqueue_dma source(%dma_start3A_511 : memref<50x64xf32, #tpu.memory_space<vmem>>) target(%dma_start3A_507 : memref<50x64xf32, #tpu.memory_space<hbm>>) target_semaphore(%arg21 : memref<!tpu.dma_semaphore, #tpu.memory_space<semaphore_mem>>)
      %dma_wait3A_512 = arith.constant 7 : i32
      %dma_wait3A_513 = arith.constant 0 : i32
      %dma_wait3A_514 = arith.constant 0 : i32
      %dma_wait3A_515 = tpu.memref_slice %arg6[%dma_wait3A_512, %dma_wait3A_513, %dma_wait3A_514] : memref<8x50x64xf32, #tpu.memory_space<vmem>> -> memref<1x50x64xf32, #tpu.memory_space<vmem>>
      %dma_wait3A_516 = tpu.memref_squeeze %dma_wait3A_515 : memref<1x50x64xf32, #tpu.memory_space<vmem>> -> memref<50x64xf32, #tpu.memory_space<vmem>>
      %dma_wait3A_517 = arith.constant 0 : i32
      %dma_wait3A_518 = tpu.memref_slice %arg5[%add3A_283, %dma_wait3A_517] : memref<512x50xi32, #tpu.memory_space<vmem>> -> memref<1x50xi32, #tpu.memory_space<vmem>>
      %dma_wait3A_519 = tpu.memref_squeeze %dma_wait3A_518 : memref<1x50xi32, #tpu.memory_space<vmem>> -> memref<50xi32, #tpu.memory_space<vmem>>
      %dma_wait3A_520 = arith.constant 0 : i32
      %dma_wait3A_521 = arith.constant 0 : i32
      %dma_wait3A_522 = tpu.memref_slice %arg3[%dma_wait3A_520, %dma_wait3A_521] : memref<1000000x64xf32, #tpu.memory_space<hbm>> -> memref<1000000x64xf32, #tpu.memory_space<hbm>>
      tpu.wait_indirect_dma semaphore(%arg14 : memref<!tpu.dma_semaphore, #tpu.memory_space<semaphore_mem>>) src(%dma_wait3A_522 : memref<1000000x64xf32, #tpu.memory_space<hbm>>) dst(%dma_wait3A_516 : memref<50x64xf32, #tpu.memory_space<vmem>>)
      %add3A_523 = arith.addi %mul3A_2, %add3A_154 : i32
      %add3A_524 = arith.constant 7 : i32
      %add3A_525 = arith.addi %add3A_523, %add3A_524 : i32
      %dma_start3A_526 = arith.constant 7 : i32
      %dma_start3A_527 = arith.constant 0 : i32
      %dma_start3A_528 = arith.constant 0 : i32
      %dma_start3A_529 = tpu.memref_slice %arg6[%dma_start3A_526, %dma_start3A_527, %dma_start3A_528] : memref<8x50x64xf32, #tpu.memory_space<vmem>> -> memref<1x50x64xf32, #tpu.memory_space<vmem>>
      %dma_start3A_530 = tpu.memref_squeeze %dma_start3A_529 : memref<1x50x64xf32, #tpu.memory_space<vmem>> -> memref<50x64xf32, #tpu.memory_space<vmem>>
      %dma_start3A_531 = arith.constant 0 : i32
      %dma_start3A_532 = arith.constant 0 : i32
      %dma_start3A_533 = tpu.memref_slice %arg4[%add3A_525, %dma_start3A_531, %dma_start3A_532] : memref<16384x50x64xf32, #tpu.memory_space<hbm>> -> memref<1x50x64xf32, #tpu.memory_space<hbm>>
      %dma_start3A_534 = tpu.memref_squeeze %dma_start3A_533 : memref<1x50x64xf32, #tpu.memory_space<hbm>> -> memref<50x64xf32, #tpu.memory_space<hbm>>
      %dma_start3A_535 = arith.constant 0 : i32
      %dma_start3A_536 = arith.constant 0 : i32
      %dma_start3A_537 = tpu.memref_slice %arg4[%add3A_525, %dma_start3A_535, %dma_start3A_536] : memref<16384x50x64xf32, #tpu.memory_space<hbm>> -> memref<1x50x64xf32, #tpu.memory_space<hbm>>
      %dma_start3A_538 = tpu.memref_squeeze %dma_start3A_537 : memref<1x50x64xf32, #tpu.memory_space<hbm>> -> memref<50x64xf32, #tpu.memory_space<hbm>>
      %dma_start3A_539 = arith.constant 0 : i32
      %dma_start3A_540 = arith.constant 0 : i32
      %dma_start3A_541 = tpu.memref_slice %arg6[%dma_start3A_526, %dma_start3A_539, %dma_start3A_540] : memref<8x50x64xf32, #tpu.memory_space<vmem>> -> memref<1x50x64xf32, #tpu.memory_space<vmem>>
      %dma_start3A_542 = tpu.memref_squeeze %dma_start3A_541 : memref<1x50x64xf32, #tpu.memory_space<vmem>> -> memref<50x64xf32, #tpu.memory_space<vmem>>
      tpu.enqueue_dma source(%dma_start3A_542 : memref<50x64xf32, #tpu.memory_space<vmem>>) target(%dma_start3A_538 : memref<50x64xf32, #tpu.memory_space<hbm>>) target_semaphore(%arg22 : memref<!tpu.dma_semaphore, #tpu.memory_space<semaphore_mem>>)
    }
    %scan3A_6 = arith.constant 64 : i32
    %dma_wait3A = arith.constant 0 : i32
    %dma_wait3A_7 = arith.constant 0 : i32
    %dma_wait3A_8 = arith.constant 0 : i32
    %dma_wait3A_9 = arith.constant 0 : i32
    %dma_wait3A_10 = tpu.memref_slice %arg6[%dma_wait3A, %dma_wait3A_8, %dma_wait3A_9] : memref<8x50x64xf32, #tpu.memory_space<vmem>> -> memref<1x50x64xf32, #tpu.memory_space<vmem>>
    %dma_wait3A_11 = tpu.memref_squeeze %dma_wait3A_10 : memref<1x50x64xf32, #tpu.memory_space<vmem>> -> memref<50x64xf32, #tpu.memory_space<vmem>>
    %dma_wait3A_12 = arith.constant 0 : i32
    %dma_wait3A_13 = arith.constant 0 : i32
    %dma_wait3A_14 = tpu.memref_slice %arg4[%dma_wait3A_7, %dma_wait3A_12, %dma_wait3A_13] : memref<16384x50x64xf32, #tpu.memory_space<hbm>> -> memref<1x50x64xf32, #tpu.memory_space<hbm>>
    %dma_wait3A_15 = tpu.memref_squeeze %dma_wait3A_14 : memref<1x50x64xf32, #tpu.memory_space<hbm>> -> memref<50x64xf32, #tpu.memory_space<hbm>>
    %dma_wait3A_16 = arith.constant 0 : i32
    %dma_wait3A_17 = arith.constant 0 : i32
    %dma_wait3A_18 = tpu.memref_slice %arg4[%dma_wait3A_7, %dma_wait3A_16, %dma_wait3A_17] : memref<16384x50x64xf32, #tpu.memory_space<hbm>> -> memref<1x50x64xf32, #tpu.memory_space<hbm>>
    %dma_wait3A_19 = tpu.memref_squeeze %dma_wait3A_18 : memref<1x50x64xf32, #tpu.memory_space<hbm>> -> memref<50x64xf32, #tpu.memory_space<hbm>>
    %dma_wait3A_20 = arith.constant 0 : i32
    %dma_wait3A_21 = arith.constant 0 : i32
    %dma_wait3A_22 = tpu.memref_slice %arg6[%dma_wait3A, %dma_wait3A_20, %dma_wait3A_21] : memref<8x50x64xf32, #tpu.memory_space<vmem>> -> memref<1x50x64xf32, #tpu.memory_space<vmem>>
    %dma_wait3A_23 = tpu.memref_squeeze %dma_wait3A_22 : memref<1x50x64xf32, #tpu.memory_space<vmem>> -> memref<50x64xf32, #tpu.memory_space<vmem>>
    tpu.wait_dma2 semaphore(%arg15 : memref<!tpu.dma_semaphore, #tpu.memory_space<semaphore_mem>>) src(%dma_wait3A_23 : memref<50x64xf32, #tpu.memory_space<vmem>>) dst(%dma_wait3A_19 : memref<50x64xf32, #tpu.memory_space<hbm>>)
    %dma_wait3A_24 = arith.constant 1 : i32
    %dma_wait3A_25 = arith.constant 0 : i32
    %dma_wait3A_26 = arith.constant 0 : i32
    %dma_wait3A_27 = arith.constant 0 : i32
    %dma_wait3A_28 = tpu.memref_slice %arg6[%dma_wait3A_24, %dma_wait3A_26, %dma_wait3A_27] : memref<8x50x64xf32, #tpu.memory_space<vmem>> -> memref<1x50x64xf32, #tpu.memory_space<vmem>>
    %dma_wait3A_29 = tpu.memref_squeeze %dma_wait3A_28 : memref<1x50x64xf32, #tpu.memory_space<vmem>> -> memref<50x64xf32, #tpu.memory_space<vmem>>
    %dma_wait3A_30 = arith.constant 0 : i32
    %dma_wait3A_31 = arith.constant 0 : i32
    %dma_wait3A_32 = tpu.memref_slice %arg4[%dma_wait3A_25, %dma_wait3A_30, %dma_wait3A_31] : memref<16384x50x64xf32, #tpu.memory_space<hbm>> -> memref<1x50x64xf32, #tpu.memory_space<hbm>>
    %dma_wait3A_33 = tpu.memref_squeeze %dma_wait3A_32 : memref<1x50x64xf32, #tpu.memory_space<hbm>> -> memref<50x64xf32, #tpu.memory_space<hbm>>
    %dma_wait3A_34 = arith.constant 0 : i32
    %dma_wait3A_35 = arith.constant 0 : i32
    %dma_wait3A_36 = tpu.memref_slice %arg4[%dma_wait3A_25, %dma_wait3A_34, %dma_wait3A_35] : memref<16384x50x64xf32, #tpu.memory_space<hbm>> -> memref<1x50x64xf32, #tpu.memory_space<hbm>>
    %dma_wait3A_37 = tpu.memref_squeeze %dma_wait3A_36 : memref<1x50x64xf32, #tpu.memory_space<hbm>> -> memref<50x64xf32, #tpu.memory_space<hbm>>
    %dma_wait3A_38 = arith.constant 0 : i32
    %dma_wait3A_39 = arith.constant 0 : i32
    %dma_wait3A_40 = tpu.memref_slice %arg6[%dma_wait3A_24, %dma_wait3A_38, %dma_wait3A_39] : memref<8x50x64xf32, #tpu.memory_space<vmem>> -> memref<1x50x64xf32, #tpu.memory_space<vmem>>
    %dma_wait3A_41 = tpu.memref_squeeze %dma_wait3A_40 : memref<1x50x64xf32, #tpu.memory_space<vmem>> -> memref<50x64xf32, #tpu.memory_space<vmem>>
    tpu.wait_dma2 semaphore(%arg16 : memref<!tpu.dma_semaphore, #tpu.memory_space<semaphore_mem>>) src(%dma_wait3A_41 : memref<50x64xf32, #tpu.memory_space<vmem>>) dst(%dma_wait3A_37 : memref<50x64xf32, #tpu.memory_space<hbm>>)
    %dma_wait3A_42 = arith.constant 2 : i32
    %dma_wait3A_43 = arith.constant 0 : i32
    %dma_wait3A_44 = arith.constant 0 : i32
    %dma_wait3A_45 = arith.constant 0 : i32
    %dma_wait3A_46 = tpu.memref_slice %arg6[%dma_wait3A_42, %dma_wait3A_44, %dma_wait3A_45] : memref<8x50x64xf32, #tpu.memory_space<vmem>> -> memref<1x50x64xf32, #tpu.memory_space<vmem>>
    %dma_wait3A_47 = tpu.memref_squeeze %dma_wait3A_46 : memref<1x50x64xf32, #tpu.memory_space<vmem>> -> memref<50x64xf32, #tpu.memory_space<vmem>>
    %dma_wait3A_48 = arith.constant 0 : i32
    %dma_wait3A_49 = arith.constant 0 : i32
    %dma_wait3A_50 = tpu.memref_slice %arg4[%dma_wait3A_43, %dma_wait3A_48, %dma_wait3A_49] : memref<16384x50x64xf32, #tpu.memory_space<hbm>> -> memref<1x50x64xf32, #tpu.memory_space<hbm>>
    %dma_wait3A_51 = tpu.memref_squeeze %dma_wait3A_50 : memref<1x50x64xf32, #tpu.memory_space<hbm>> -> memref<50x64xf32, #tpu.memory_space<hbm>>
    %dma_wait3A_52 = arith.constant 0 : i32
    %dma_wait3A_53 = arith.constant 0 : i32
    %dma_wait3A_54 = tpu.memref_slice %arg4[%dma_wait3A_43, %dma_wait3A_52, %dma_wait3A_53] : memref<16384x50x64xf32, #tpu.memory_space<hbm>> -> memref<1x50x64xf32, #tpu.memory_space<hbm>>
    %dma_wait3A_55 = tpu.memref_squeeze %dma_wait3A_54 : memref<1x50x64xf32, #tpu.memory_space<hbm>> -> memref<50x64xf32, #tpu.memory_space<hbm>>
    %dma_wait3A_56 = arith.constant 0 : i32
    %dma_wait3A_57 = arith.constant 0 : i32
    %dma_wait3A_58 = tpu.memref_slice %arg6[%dma_wait3A_42, %dma_wait3A_56, %dma_wait3A_57] : memref<8x50x64xf32, #tpu.memory_space<vmem>> -> memref<1x50x64xf32, #tpu.memory_space<vmem>>
    %dma_wait3A_59 = tpu.memref_squeeze %dma_wait3A_58 : memref<1x50x64xf32, #tpu.memory_space<vmem>> -> memref<50x64xf32, #tpu.memory_space<vmem>>
    tpu.wait_dma2 semaphore(%arg17 : memref<!tpu.dma_semaphore, #tpu.memory_space<semaphore_mem>>) src(%dma_wait3A_59 : memref<50x64xf32, #tpu.memory_space<vmem>>) dst(%dma_wait3A_55 : memref<50x64xf32, #tpu.memory_space<hbm>>)
    %dma_wait3A_60 = arith.constant 3 : i32
    %dma_wait3A_61 = arith.constant 0 : i32
    %dma_wait3A_62 = arith.constant 0 : i32
    %dma_wait3A_63 = arith.constant 0 : i32
    %dma_wait3A_64 = tpu.memref_slice %arg6[%dma_wait3A_60, %dma_wait3A_62, %dma_wait3A_63] : memref<8x50x64xf32, #tpu.memory_space<vmem>> -> memref<1x50x64xf32, #tpu.memory_space<vmem>>
    %dma_wait3A_65 = tpu.memref_squeeze %dma_wait3A_64 : memref<1x50x64xf32, #tpu.memory_space<vmem>> -> memref<50x64xf32, #tpu.memory_space<vmem>>
    %dma_wait3A_66 = arith.constant 0 : i32
    %dma_wait3A_67 = arith.constant 0 : i32
    %dma_wait3A_68 = tpu.memref_slice %arg4[%dma_wait3A_61, %dma_wait3A_66, %dma_wait3A_67] : memref<16384x50x64xf32, #tpu.memory_space<hbm>> -> memref<1x50x64xf32, #tpu.memory_space<hbm>>
    %dma_wait3A_69 = tpu.memref_squeeze %dma_wait3A_68 : memref<1x50x64xf32, #tpu.memory_space<hbm>> -> memref<50x64xf32, #tpu.memory_space<hbm>>
    %dma_wait3A_70 = arith.constant 0 : i32
    %dma_wait3A_71 = arith.constant 0 : i32
    %dma_wait3A_72 = tpu.memref_slice %arg4[%dma_wait3A_61, %dma_wait3A_70, %dma_wait3A_71] : memref<16384x50x64xf32, #tpu.memory_space<hbm>> -> memref<1x50x64xf32, #tpu.memory_space<hbm>>
    %dma_wait3A_73 = tpu.memref_squeeze %dma_wait3A_72 : memref<1x50x64xf32, #tpu.memory_space<hbm>> -> memref<50x64xf32, #tpu.memory_space<hbm>>
    %dma_wait3A_74 = arith.constant 0 : i32
    %dma_wait3A_75 = arith.constant 0 : i32
    %dma_wait3A_76 = tpu.memref_slice %arg6[%dma_wait3A_60, %dma_wait3A_74, %dma_wait3A_75] : memref<8x50x64xf32, #tpu.memory_space<vmem>> -> memref<1x50x64xf32, #tpu.memory_space<vmem>>
    %dma_wait3A_77 = tpu.memref_squeeze %dma_wait3A_76 : memref<1x50x64xf32, #tpu.memory_space<vmem>> -> memref<50x64xf32, #tpu.memory_space<vmem>>
    tpu.wait_dma2 semaphore(%arg18 : memref<!tpu.dma_semaphore, #tpu.memory_space<semaphore_mem>>) src(%dma_wait3A_77 : memref<50x64xf32, #tpu.memory_space<vmem>>) dst(%dma_wait3A_73 : memref<50x64xf32, #tpu.memory_space<hbm>>)
    %dma_wait3A_78 = arith.constant 4 : i32
    %dma_wait3A_79 = arith.constant 0 : i32
    %dma_wait3A_80 = arith.constant 0 : i32
    %dma_wait3A_81 = arith.constant 0 : i32
    %dma_wait3A_82 = tpu.memref_slice %arg6[%dma_wait3A_78, %dma_wait3A_80, %dma_wait3A_81] : memref<8x50x64xf32, #tpu.memory_space<vmem>> -> memref<1x50x64xf32, #tpu.memory_space<vmem>>
    %dma_wait3A_83 = tpu.memref_squeeze %dma_wait3A_82 : memref<1x50x64xf32, #tpu.memory_space<vmem>> -> memref<50x64xf32, #tpu.memory_space<vmem>>
    %dma_wait3A_84 = arith.constant 0 : i32
    %dma_wait3A_85 = arith.constant 0 : i32
    %dma_wait3A_86 = tpu.memref_slice %arg4[%dma_wait3A_79, %dma_wait3A_84, %dma_wait3A_85] : memref<16384x50x64xf32, #tpu.memory_space<hbm>> -> memref<1x50x64xf32, #tpu.memory_space<hbm>>
    %dma_wait3A_87 = tpu.memref_squeeze %dma_wait3A_86 : memref<1x50x64xf32, #tpu.memory_space<hbm>> -> memref<50x64xf32, #tpu.memory_space<hbm>>
    %dma_wait3A_88 = arith.constant 0 : i32
    %dma_wait3A_89 = arith.constant 0 : i32
    %dma_wait3A_90 = tpu.memref_slice %arg4[%dma_wait3A_79, %dma_wait3A_88, %dma_wait3A_89] : memref<16384x50x64xf32, #tpu.memory_space<hbm>> -> memref<1x50x64xf32, #tpu.memory_space<hbm>>
    %dma_wait3A_91 = tpu.memref_squeeze %dma_wait3A_90 : memref<1x50x64xf32, #tpu.memory_space<hbm>> -> memref<50x64xf32, #tpu.memory_space<hbm>>
    %dma_wait3A_92 = arith.constant 0 : i32
    %dma_wait3A_93 = arith.constant 0 : i32
    %dma_wait3A_94 = tpu.memref_slice %arg6[%dma_wait3A_78, %dma_wait3A_92, %dma_wait3A_93] : memref<8x50x64xf32, #tpu.memory_space<vmem>> -> memref<1x50x64xf32, #tpu.memory_space<vmem>>
    %dma_wait3A_95 = tpu.memref_squeeze %dma_wait3A_94 : memref<1x50x64xf32, #tpu.memory_space<vmem>> -> memref<50x64xf32, #tpu.memory_space<vmem>>
    tpu.wait_dma2 semaphore(%arg19 : memref<!tpu.dma_semaphore, #tpu.memory_space<semaphore_mem>>) src(%dma_wait3A_95 : memref<50x64xf32, #tpu.memory_space<vmem>>) dst(%dma_wait3A_91 : memref<50x64xf32, #tpu.memory_space<hbm>>)
    %dma_wait3A_96 = arith.constant 5 : i32
    %dma_wait3A_97 = arith.constant 0 : i32
    %dma_wait3A_98 = arith.constant 0 : i32
    %dma_wait3A_99 = arith.constant 0 : i32
    %dma_wait3A_100 = tpu.memref_slice %arg6[%dma_wait3A_96, %dma_wait3A_98, %dma_wait3A_99] : memref<8x50x64xf32, #tpu.memory_space<vmem>> -> memref<1x50x64xf32, #tpu.memory_space<vmem>>
    %dma_wait3A_101 = tpu.memref_squeeze %dma_wait3A_100 : memref<1x50x64xf32, #tpu.memory_space<vmem>> -> memref<50x64xf32, #tpu.memory_space<vmem>>
    %dma_wait3A_102 = arith.constant 0 : i32
    %dma_wait3A_103 = arith.constant 0 : i32
    %dma_wait3A_104 = tpu.memref_slice %arg4[%dma_wait3A_97, %dma_wait3A_102, %dma_wait3A_103] : memref<16384x50x64xf32, #tpu.memory_space<hbm>> -> memref<1x50x64xf32, #tpu.memory_space<hbm>>
    %dma_wait3A_105 = tpu.memref_squeeze %dma_wait3A_104 : memref<1x50x64xf32, #tpu.memory_space<hbm>> -> memref<50x64xf32, #tpu.memory_space<hbm>>
    %dma_wait3A_106 = arith.constant 0 : i32
    %dma_wait3A_107 = arith.constant 0 : i32
    %dma_wait3A_108 = tpu.memref_slice %arg4[%dma_wait3A_97, %dma_wait3A_106, %dma_wait3A_107] : memref<16384x50x64xf32, #tpu.memory_space<hbm>> -> memref<1x50x64xf32, #tpu.memory_space<hbm>>
    %dma_wait3A_109 = tpu.memref_squeeze %dma_wait3A_108 : memref<1x50x64xf32, #tpu.memory_space<hbm>> -> memref<50x64xf32, #tpu.memory_space<hbm>>
    %dma_wait3A_110 = arith.constant 0 : i32
    %dma_wait3A_111 = arith.constant 0 : i32
    %dma_wait3A_112 = tpu.memref_slice %arg6[%dma_wait3A_96, %dma_wait3A_110, %dma_wait3A_111] : memref<8x50x64xf32, #tpu.memory_space<vmem>> -> memref<1x50x64xf32, #tpu.memory_space<vmem>>
    %dma_wait3A_113 = tpu.memref_squeeze %dma_wait3A_112 : memref<1x50x64xf32, #tpu.memory_space<vmem>> -> memref<50x64xf32, #tpu.memory_space<vmem>>
    tpu.wait_dma2 semaphore(%arg20 : memref<!tpu.dma_semaphore, #tpu.memory_space<semaphore_mem>>) src(%dma_wait3A_113 : memref<50x64xf32, #tpu.memory_space<vmem>>) dst(%dma_wait3A_109 : memref<50x64xf32, #tpu.memory_space<hbm>>)
    %dma_wait3A_114 = arith.constant 6 : i32
    %dma_wait3A_115 = arith.constant 0 : i32
    %dma_wait3A_116 = arith.constant 0 : i32
    %dma_wait3A_117 = arith.constant 0 : i32
    %dma_wait3A_118 = tpu.memref_slice %arg6[%dma_wait3A_114, %dma_wait3A_116, %dma_wait3A_117] : memref<8x50x64xf32, #tpu.memory_space<vmem>> -> memref<1x50x64xf32, #tpu.memory_space<vmem>>
    %dma_wait3A_119 = tpu.memref_squeeze %dma_wait3A_118 : memref<1x50x64xf32, #tpu.memory_space<vmem>> -> memref<50x64xf32, #tpu.memory_space<vmem>>
    %dma_wait3A_120 = arith.constant 0 : i32
    %dma_wait3A_121 = arith.constant 0 : i32
    %dma_wait3A_122 = tpu.memref_slice %arg4[%dma_wait3A_115, %dma_wait3A_120, %dma_wait3A_121] : memref<16384x50x64xf32, #tpu.memory_space<hbm>> -> memref<1x50x64xf32, #tpu.memory_space<hbm>>
    %dma_wait3A_123 = tpu.memref_squeeze %dma_wait3A_122 : memref<1x50x64xf32, #tpu.memory_space<hbm>> -> memref<50x64xf32, #tpu.memory_space<hbm>>
    %dma_wait3A_124 = arith.constant 0 : i32
    %dma_wait3A_125 = arith.constant 0 : i32
    %dma_wait3A_126 = tpu.memref_slice %arg4[%dma_wait3A_115, %dma_wait3A_124, %dma_wait3A_125] : memref<16384x50x64xf32, #tpu.memory_space<hbm>> -> memref<1x50x64xf32, #tpu.memory_space<hbm>>
    %dma_wait3A_127 = tpu.memref_squeeze %dma_wait3A_126 : memref<1x50x64xf32, #tpu.memory_space<hbm>> -> memref<50x64xf32, #tpu.memory_space<hbm>>
    %dma_wait3A_128 = arith.constant 0 : i32
    %dma_wait3A_129 = arith.constant 0 : i32
    %dma_wait3A_130 = tpu.memref_slice %arg6[%dma_wait3A_114, %dma_wait3A_128, %dma_wait3A_129] : memref<8x50x64xf32, #tpu.memory_space<vmem>> -> memref<1x50x64xf32, #tpu.memory_space<vmem>>
    %dma_wait3A_131 = tpu.memref_squeeze %dma_wait3A_130 : memref<1x50x64xf32, #tpu.memory_space<vmem>> -> memref<50x64xf32, #tpu.memory_space<vmem>>
    tpu.wait_dma2 semaphore(%arg21 : memref<!tpu.dma_semaphore, #tpu.memory_space<semaphore_mem>>) src(%dma_wait3A_131 : memref<50x64xf32, #tpu.memory_space<vmem>>) dst(%dma_wait3A_127 : memref<50x64xf32, #tpu.memory_space<hbm>>)
    %dma_wait3A_132 = arith.constant 7 : i32
    %dma_wait3A_133 = arith.constant 0 : i32
    %dma_wait3A_134 = arith.constant 0 : i32
    %dma_wait3A_135 = arith.constant 0 : i32
    %dma_wait3A_136 = tpu.memref_slice %arg6[%dma_wait3A_132, %dma_wait3A_134, %dma_wait3A_135] : memref<8x50x64xf32, #tpu.memory_space<vmem>> -> memref<1x50x64xf32, #tpu.memory_space<vmem>>
    %dma_wait3A_137 = tpu.memref_squeeze %dma_wait3A_136 : memref<1x50x64xf32, #tpu.memory_space<vmem>> -> memref<50x64xf32, #tpu.memory_space<vmem>>
    %dma_wait3A_138 = arith.constant 0 : i32
    %dma_wait3A_139 = arith.constant 0 : i32
    %dma_wait3A_140 = tpu.memref_slice %arg4[%dma_wait3A_133, %dma_wait3A_138, %dma_wait3A_139] : memref<16384x50x64xf32, #tpu.memory_space<hbm>> -> memref<1x50x64xf32, #tpu.memory_space<hbm>>
    %dma_wait3A_141 = tpu.memref_squeeze %dma_wait3A_140 : memref<1x50x64xf32, #tpu.memory_space<hbm>> -> memref<50x64xf32, #tpu.memory_space<hbm>>
    %dma_wait3A_142 = arith.constant 0 : i32
    %dma_wait3A_143 = arith.constant 0 : i32
    %dma_wait3A_144 = tpu.memref_slice %arg4[%dma_wait3A_133, %dma_wait3A_142, %dma_wait3A_143] : memref<16384x50x64xf32, #tpu.memory_space<hbm>> -> memref<1x50x64xf32, #tpu.memory_space<hbm>>
    %dma_wait3A_145 = tpu.memref_squeeze %dma_wait3A_144 : memref<1x50x64xf32, #tpu.memory_space<hbm>> -> memref<50x64xf32, #tpu.memory_space<hbm>>
    %dma_wait3A_146 = arith.constant 0 : i32
    %dma_wait3A_147 = arith.constant 0 : i32
    %dma_wait3A_148 = tpu.memref_slice %arg6[%dma_wait3A_132, %dma_wait3A_146, %dma_wait3A_147] : memref<8x50x64xf32, #tpu.memory_space<vmem>> -> memref<1x50x64xf32, #tpu.memory_space<vmem>>
    %dma_wait3A_149 = tpu.memref_squeeze %dma_wait3A_148 : memref<1x50x64xf32, #tpu.memory_space<vmem>> -> memref<50x64xf32, #tpu.memory_space<vmem>>
    tpu.wait_dma2 semaphore(%arg22 : memref<!tpu.dma_semaphore, #tpu.memory_space<semaphore_mem>>) src(%dma_wait3A_149 : memref<50x64xf32, #tpu.memory_space<vmem>>) dst(%dma_wait3A_145 : memref<50x64xf32, #tpu.memory_space<hbm>>)
    return
  }
}

</mosaic_0001>

<sc_bundles>
// kernel: kernel.3.cloned.1.call-start
scs
__scs_entry_jumppad:
0x0: {  	(pc) =	sbr.rel $0x88, $3  }
0x1: {  	(tag) =	ssettag $0x0;
	lr =	simm.s32 $0x1  }
0x2: {  	[smem:$0x3F9F] =	sst lr;
	_ =	strace $0xD0000000  }
0x3: {  	_ = 	snop  }
0x4: {  	_ = 	snop  }
0x5: {  	_ = 	snop  }
0x6: {  	_ = 	snop  }
0x7: {  	_ = 	snop  }
__scs_overlays_trampoline_lowered:
0x8: {  	[smem:$0x3FAE] =	sst s0  }
0x9: {  	[smem:$0x3FAF] =	sst s1  }
0xa: {  	[smem:$0x3FB0] =	sst s2  }
0xb: {  	[smem:$0x3FB1] =	sst s3  }
0xc: {  	[smem:$0x3FB2] =	sst s4  }
0xd: {  	[smem:$0x3FB3] =	sst s5  }
0xe: {  	[smem:$0x3FB4] =	sst s6  }
0xf: {  	[smem:$0x3FB5] =	sst s7  }
0x10: {  	[smem:$0x3FB6] =	sst s8  }
0x11: {  	[smem:$0x3FB7] =	sst s9;
	s0 =	simm.s32 @!p0 $0x0  }
0x12: {  	s1 =	sld [smem:$0x3F9D];
	s0 =	simm.s32 @p0 $0x1  }
0x13: {  	[smem:$0x3FB8] =	sst s0;
	s0 =	simm.s32 @!p1 $0x0  }
0x14: {  	s2 =	sld [smem:$0x3F9C];
	s0 =	simm.s32 @p1 $0x1  }
0x15: {  	[smem:$0x3FB9] =	sst s0;
	s0 =	simm.s32 @!p2 $0x0  }
0x16: {  	s3 =	sld [smem:$0x3FDB];
	s0 =	simm.s32 @p2 $0x1  }
0x17: {  	s4 =	simm.s32 $0x1BF5;
	[smem:$0x3FBB] =	sst s0  }
0x18: {  	s0 =	sld [smem:$0x3F9E];
	_ =	swait.ge [sflag:s4], $0x0  }
0x19: {  	s7 =	sld [smem:$0x3F9F]  }
0x1a: {  	s8 =	sadd.s32 $0xFFFFE003, lr  }
0x1b: {  	s9 =	sadd.s32 $0xFFFFFEF7, lr;
	s5 =	simm.s32 $0xFFFFFFFF;
	p2 =	slt.u32 s8, $0xFFFFF086  }
0x1c: {  	p1 =	slt.u32 s9, $0xF7A;
	s5 =	simm.s32 @!p2 $0x0  }
0x1d: {  	s5 =	simm.s32 @p1 $0x1;
	p0 =	seq.s32 s7, s2  }
0x1e: {  	s7 =	smul.u32 @!p0 $0xF7A, s2;
	p2 =	seq.s32 @!p0 s5, $0x0  }
0x1f: {  	s9 =	smul.u32 $0xF7A, s1;
	s8 =	simm.s32 @!p0 $0x1BF5;
	p2 =	por !p2, p0  }
0x20: {  	[sflag:s8] =	ssyncset.s32 @!p0 $0xFFFFF086;
	s6 =	sadd.s32 @!p0 s3, s7;
	s7 =	simm.s32 @!p0 $0x108  }
0x21: {  	s3 =	sadd.s32 s3, s9;
	s6 =	sadd.s32 @!p0 $0x88, s6;
	s7 =	simm.s32 @p2 $0x1082  }
0x22: {  	[simem:s7], [sflag:s8] =	dma.local @!p0 [hbm:s6], $0xF7A  }
0x23: {  	s9 =	sor.u32 $0xD0000000, s2;
	s6 =	simm.s32 $0x108;
	_ =	swait.ge @!p0 [sflag:s8], $0x0  }
0x24: {  	s3 =	sadd.s32 $0x88, s3;
	s6 =	simm.s32 @!p1 $0x1082;
	[sflag:s4] =	ssyncset.s32 $0xFFFFF086  }
0x25: {  	[simem:s6], [sflag:s4] =	dma.local [hbm:s3], $0xF7A  }
0x26: {  	[smem:$0x3F9F] =	sst s1;
	(tag) =	ssettag s2;
	_ =	strace s9  }
0x27: {  	s1 =	sld [smem:$0x3FAF]  }
0x28: {  	s2 =	sld [smem:$0x3FB0]  }
0x29: {  	s4 =	sld [smem:$0x3FB2]  }
0x2a: {  	p0 =	seq.s32 s5, $0x0;
	s5 =	sld [smem:$0x3FB3]  }
0x2b: {  	s6 =	sld [smem:$0x3FB4]  }
0x2c: {  	s7 =	sld [smem:$0x3FB5]  }
0x2d: {  	s3 =	simm.s32 $0x108;
	s8 =	sld [smem:$0x3FB6]  }
0x2e: {  	s3 =	simm.s32 @!p0 $0x1082;
	s9 =	sld [smem:$0x3FB7]  }
0x2f: {  	lr =	sadd.s32 s0, s3;
	s0 =	sld [smem:$0x3FAE]  }
0x30: {  	s3 =	sld [smem:$0x3FB1]  }
0x31: {  	[smem:$0x3FBA] =	sst s10  }
0x32: {  	s10 =	sld [smem:$0x3FB8];
	_ =	sdelay $0x3  }
0x33: {  	p0 =	seq.s32 s10, $0x1;
	s10 =	sld [smem:$0x3FBA];
	_ =	sdelay $0x3  }
0x34: {  	[smem:$0x3FBA] =	sst s10  }
0x35: {  	s10 =	sld [smem:$0x3FB9];
	_ =	sdelay $0x3  }
0x36: {  	p1 =	seq.s32 s10, $0x1;
	s10 =	sld [smem:$0x3FBA];
	_ =	sdelay $0x3  }
0x37: {  	[smem:$0x3FBA] =	sst s10  }
0x38: {  	s10 =	sld [smem:$0x3FBB]  }
0x39: {  	_ = 	snop;
	(pc) =	sbr.ind lr, $3  }
0x3a: {  	_ = 	snop  }
0x3b: {  	_ = 	snop  }
0x3c: {  	p2 =	seq.s32 s10, $0x1;
	s10 =	sld [smem:$0x3FBA]  }
0x3d: {  	_ =	shalt  }
0x3e: {  	_ =	shalt  }
0x3f: {  	_ =	shalt  }
0x40: {  	_ =	shalt  }
0x41: {  	_ =	shalt  }
0x42: {  	_ =	shalt  }
0x43: {  	_ =	shalt  }
0x44: {  	_ =	shalt  }
0x45: {  	_ =	shalt  }
0x46: {  	_ =	shalt  }
0x47: {  	_ =	shalt  }
0x48: {  	_ =	shalt  }
0x49: {  	_ =	shalt  }
0x4a: {  	_ =	shalt  }
0x4b: {  	_ =	shalt  }
0x4c: {  	_ =	shalt  }
0x4d: {  	_ =	shalt  }
0x4e: {  	_ =	shalt  }
0x4f: {  	_ =	shalt  }
0x50: {  	_ =	shalt  }
0x51: {  	_ =	shalt  }
0x52: {  	_ =	shalt  }
0x53: {  	_ =	shalt  }
0x54: {  	_ =	shalt  }
0x55: {  	_ =	shalt  }
0x56: {  	_ =	shalt  }
0x57: {  	_ =	shalt  }
0x58: {  	_ =	shalt  }
0x59: {  	_ =	shalt  }
0x5a: {  	_ =	shalt  }
0x5b: {  	_ =	shalt  }
0x5c: {  	_ =	shalt  }
0x5d: {  	_ =	shalt  }
0x5e: {  	_ =	shalt  }
0x5f: {  	_ =	shalt  }
0x60: {  	_ =	shalt  }
0x61: {  	_ =	shalt  }
0x62: {  	_ =	shalt  }
0x63: {  	_ =	shalt  }
0x64: {  	_ =	shalt  }
0x65: {  	_ =	shalt  }
0x66: {  	_ =	shalt  }
0x67: {  	_ =	shalt  }
0x68: {  	_ =	shalt  }
0x69: {  	_ =	shalt  }
0x6a: {  	_ =	shalt  }
0x6b: {  	_ =	shalt  }
0x6c: {  	_ =	shalt  }
0x6d: {  	_ =	shalt  }
0x6e: {  	_ =	shalt  }
0x6f: {  	_ =	shalt  }
0x70: {  	_ =	shalt  }
0x71: {  	_ =	shalt  }
0x72: {  	_ =	shalt  }
0x73: {  	_ =	shalt  }
0x74: {  	_ =	shalt  }
0x75: {  	_ =	shalt  }
0x76: {  	_ =	shalt  }
0x77: {  	_ =	shalt  }
0x78: {  	_ =	shalt  }
0x79: {  	_ =	shalt  }
0x7a: {  	_ =	shalt  }
0x7b: {  	_ =	shalt  }
0x7c: {  	_ =	shalt  }
0x7d: {  	_ =	shalt  }
0x7e: {  	_ =	shalt  }
0x7f: {  	_ =	shalt  }
0x80: {  	_ =	shalt  }
0x81: {  	_ =	shalt  }
0x82: {  	_ =	shalt  }
0x83: {  	_ =	shalt  }
0x84: {  	_ =	shalt  }
0x85: {  	_ =	shalt  }
0x86: {  	_ =	shalt  }
0x87: {  	_ =	shalt  }
.Lfunc_end0:
.L_simem_size_0:
called_computation.1_lowered:
.L_overlay_start_0:
0x88: {  	s2 =	sld [smem:$0x3FD9]  }
0x89: {  	s3 =	sld [smem:$0x3FFE];
	_ =	sdelay $0x1  }
0x8a: {  	s1 =	srdreg.scid  }
0x8b: {  	s0 =	sand.u32 $0x1, s1  }
0x8c: {  	s17 =	sshll.u32 s0, $0xA;
	s2 =	sadd.s32 s3, s2  }
0x8d: {  	s2 =	sadd.s32 s2, s17  }
0x8e: {  	[smem:$0x3FC6] =	sst s2  }
0x8f: {  	_ = 	snop  }
0x90: {  	s2 =	sld [smem:$0x3FD0];
	(tm) =	ssettm $0x1  }
0x91: {  	s18 =	sld [smem:$0x3FFB];
	_ =	sdelay $0x3  }
0x92: {  	_ =	strace s18  }
0x93: {  	s3 =	sld [smem:$0x3FFC];
	_ =	sdelay $0x3  }
0x94: {  	_ =	strace s3  }
0x95: {  	s3 =	sld [smem:$0x3FFD];
	_ =	sdelay $0x3  }
0x96: {  	_ =	strace s3  }
0x97: {  	_ =	strace $0x8FFFFFFF  }
0x98: {  	s19 =	sld [smem:$0x3FDB];
	_ =	sdelay $0x1  }
0x99: {  	s4 =	simm.s32 $_scs_section_size  }
0x9a: {  	s5 =	simm.s32 $_size__tile_overlayer_lowered;
	s6 =	simm.s32 $_tile_overlayer_lowered  }
0x9b: {  	s22 =	simm.s32 $0x1BFF;
	s21 =	sshll.u32 s6, $0x1;
	s3 =	sadd.s32 s4, s19  }
0x9c: {  	s7 =	simm.s32 $0x0;
	s20 =	sshll.u32 s5, $0x1;
	s5 =	sadd.s32 s21, s3  }
0x9d: {  	[timem:s7], [sflag:s22] =	dma.local [hbm:s5], s20  }
0x9e: {  	_ =	swait.ge [sflag:s22], s20  }
0x9f: {  	s4 =	ssub.s32 $0x0, s20;
	[sflag:s22] =	ssyncset.done $0x0  }
0xa0: {  	[sflag:s22] =	ssyncadd.s32 s4;
	_ =	sdelay $0x1  }
0xa1: {  	s23 =	simm.s32 $0x1B8B  }
0xa2: {  	_ =	swait.ge [sflag:s23], $0x1  }
0xa3: {  	[sflag:s23] =	ssyncset.done $0x0  }
0xa4: {  	s25 =	simm.s32 $0x1B8E;
	s24 =	sld [smem:$0x3FFE];
	[sflag:s23] =	ssyncadd.s32 $0xFFFFFFFF  }
0xa5: {  	s26 =	simm.s32 $execute0_lowered;
	[smem:$0x3FD2] =	sst s25  }
0xa6: {  	s5 =	sshll.u32 s26, $0x1;
	_ =	strace $0x80000046;
	[dreg:$0x1] =	wrdreg $0xFFFFFFFF  }
0xa7: {  	s28 =	simm.s32 $_size_execute0_lowered;
	s3 =	sadd.s32 s3, s5;
	[dreg:$0x0] =	wrdreg $0x0  }
0xa8: {  	s5 =	sshll.u32 s28, $0x1;
	[dreg:$0x2] =	wrdreg s3  }
0xa9: {  	[dreg:$0x3] =	wrdreg s5  }
0xaa: {  	[dreg:$0x4] =	wrdreg $0xC0  }
0xab: {  	_ =	task [dreg:s7], $0x5FFFF  }
0xac: {  	[dreg:$0x1] =	wrdreg $0xFFFFFFFF  }
0xad: {  	[dreg:$0x0] =	wrdreg $0x60  }
0xae: {  	[dreg:$0x2] =	wrdreg s24  }
0xaf: {  	[dreg:$0x3] =	wrdreg s2  }
0xb0: {  	[dreg:$0x4] =	wrdreg $0x9  }
0xb1: {  	_ =	task.clear_ibuf [dreg:s7], $0x5FFFF;
	_ =	strace $0x90000046  }
0xb2: {  	s29 =	simm.s32 $0x9;
	_ =	strace $0x80000048  }
0xb3: {  	_ =	swait.ge [sflag:s29], $0x1  }
0xb4: {  	[sflag:s29] =	ssyncadd.s32 $0xFFFFFFFF  }
0xb5: {  	_ =	strace $0x90000048  }
0xb6: {  	_ =	sfence  }
0xb7: {  	s30 =	sld [smem:$0x0];
	_ =	sdelay $0x2  }
0xb8: {  	s31 =	sshll.u32 s1, $0xD;
	s1 =	sshrl.u32 s1, $0x2  }
0xb9: {  	s3 =	sand.u32 $0x4000, s31;
	s1 =	sadd.s32 s1, s30  }
0xba: {  	s0 =	sor.u32 s3, s0;
	s1 =	sshll.u32 s1, $0x11  }
0xbb: {  	s0 =	sor.u32 s1, s0  }
0xbc: {  	s0 =	sadd.s32 $0x8F2B, s0  }
0xbd: {  	[sflag:s0] =	ssyncadd.remote.s32 $0x1  }
0xbe: {  	_ =	sfence.sel $0xFFFF  }
0xbf: {  	[dreg:$0x0] =	wrdreg $0xFFFFFFFF;
	(pc) =	sbr.abs _section_cstart, $3  }
0xc0: {  	[dreg:$0x1] =	wrdreg $0xFFFFFFFF  }
0xc1: {  	_ =	task.clear_ibuf [dreg:s7], $0x2FFFF;
	_ =	strace $0x9FFFFFFF  }
0xc2: {  	(tm) =	ssettm $0x7FFFFFFF  }
0xc3: {  	_ =	shalt  }
tec
execute0_lowered:
.L_overlay_start_1:
0x0: {  	(tag) =	ssettag $0x1  }
0x1: {  	s1 =	srdreg.scid;
	s0 =	stileid.u32  }
0x2: {  	s4 =	rddreg [dreg:$0x0];
	s23 =	simm.s32 $0x32;
	s24 =	simm.s32 $0x7000  }
0x3: {  	s25 =	simm.s32 $0x7C80;
	s1 =	sand.u32 $0x1, s1;
	s19 =	smul.u32 $0x64000, s0  }
0x4: {  	s2 =	sshll.u32 s0, $0xA;
	s3 =	sshll.u32 s1, $0x9;
	s7 =	smul.u32 $0x190000, s1  }
0x5: {  	s31 =	ssub.s32 $0x2, s1;
	s1 =	smul.u32 $0x32000, s1;
	s2 =	sor.u32 s3, s2  }
0x6: {  	s3 =	simm.s32 $0x0;
	s5 =	smul.u32 $0x7, s2;
	s2 =	rddreg [dreg:$0x1]  }
0x7: {  	s26 =	simm.s32 $0x8900;
	[smem:$0x7FF] =	sst s3;
	s1 =	sadd.s32 s1, s19  }
0x8: {  	s28 =	simm.s32 $0x9580;
	_ =	strace $0x80000047;
	[dreg:$0xa] =	wrdreg s1  }
0x9: {  	s29 =	simm.s32 $0xA200;
	s6 =	smul.u32 $0x320000, s0;
	[dreg:$0xb] =	wrdreg s23  }
0xa: {  	s30 =	simm.s32 $0xAE80;
	s9 =	sshrl.u32 s31, $0x1;
	[dreg:$0xc] =	wrdreg s24  }
0xb: {  	s6 =	sadd.s32 s7, s6;
	s7 =	ssub.s32 s31, s9;
	[dreg:$0xd] =	wrdreg s25  }
0xc: {  	s9 =	simm.s32 $0x1;
	s31 =	simm.s32 $0xBB00;
	[dreg:$0xe] =	wrdreg s26  }
0xd: {  	s8 =	sor.u32 $0x5780, s6;
	s10 =	sor.u32 $0x4B00, s6;
	[dreg:$0xf] =	wrdreg s28  }
0xe: {  	s12 =	sor.u32 $0x3E80, s6;
	s14 =	sor.u32 $0x3200, s6;
	[dreg:$0x10] =	wrdreg s29  }
0xf: {  	s16 =	sor.u32 $0x2580, s6;
	s18 =	sor.u32 $0x1900, s6;
	[dreg:$0x11] =	wrdreg s30  }
0x10: {  	s6 =	sor.u32 $0xC80, s6;
	s22 =	smax.u32 s7, $0x1;
	[dreg:$0x12] =	wrdreg s31  }
0x11: {  	s23 =	simm.s32 $0xF;
	s24 =	simm.s32 $0x10;
	s25 =	simm.s32 $0x0  }
0x12: {  	s5 =	sadd.s32 s5, s4;
	s4 =	sadd.s32 $0xF42E00, s4;
	s8 =	sshrl.u32 s8, $0x3  }
0x13: {  	s11 =	sshrl.u32 s10, $0x3;
	s13 =	sshrl.u32 s12, $0x3;
	[dreg:$0x14] =	wrdreg s22  }
0x14: {  	s15 =	sshrl.u32 s14, $0x3;
	s17 =	sshrl.u32 s16, $0x3;
	[dreg:$0x3] =	wrdreg s8  }
0x15: {  	s21 =	sshrl.u32 s6, $0x3;
	s10 =	simm.s32 $0x2;
	[dreg:$0x4] =	wrdreg s11  }
0x16: {  	s12 =	simm.s32 $0x4;
	s14 =	simm.s32 $0x6;
	[dreg:$0x5] =	wrdreg s13  }
0x17: {  	s16 =	simm.s32 $0x8;
	s22 =	simm.s32 $0xE;
	[dreg:$0x6] =	wrdreg s15  }
0x18: {  	[dreg:$0x7] =	wrdreg s17;
	s8 =	sshrl.u32 s18, $0x3;
	s20 =	sadd.s32 $0xA00, s5  }
0x19: {  	[dreg:$0x9] =	wrdreg s21;
	s11 =	simm.s32 $0x3;
	s13 =	simm.s32 $0x5  }
0x1a: {  	s15 =	simm.s32 $0x7;
	s21 =	simm.s32 $0xD;
	[dreg:$0x13] =	wrdreg s20  }
0x1b: {  	[dreg:$0x8] =	wrdreg s8;
	s8 =	simm.s32 $0xC780;
	s20 =	simm.s32 $0xC  }
.LBB2_1:
0x1c: {  	s0 =	rddreg [dreg:$0x13];
	s1 =	simm.s32 $0x11  }
0x1d: {  	[tilespmem:s3], [sflag:$0x11] =	stream.linear.gather [hbm4b:s0+s3], $0x7000, $0x38;
	[tilespmem:$0xD400] =	vst v63  }
0x1e: {  	p1 =	por $0x0, $0x0;
	_ =	swait.ge [sflag:s1], $0x7000  }
0x1f: {  	p0 =	por p1, p1;
	[sflag:s1] =	ssyncset.done $0x0  }
0x20: {  	[sflag:s1] =	ssyncadd.s32 $0xFFFF9000;
	s1 =	simm.s32 @p0 $0x9  }
0x21: {  	_ =	swait.ge @p0 [sflag:s1], $0xC80  }
0x22: {  	s26 =	simm.s32 @p0 $0x7000;
	s28 =	simm.s32 @p0 $0xA;
	[sflag:s1] =	ssyncset.done @p0 $0x0  }
0x23: {  	s29 =	simm.s32 @p0 $0x32;
	[sflag:s1] =	ssyncadd.s32 @p0 $0xFFFFF380;
	s1 =	simm.s32 @p0 $0x0  }
0x24: {  	[tilespmem:s26], [sflag:$0x1] =	stream.indirect.gather @p0 [hbm4b:s4+s29], $0x40, s1, s29, $0xb8;
	[tilespmem:$0xD400] =	vst v63  }
0x25: {  	_ =	swait.ge @p0 [sflag:s28], $0xC80  }
0x26: {  	s1 =	simm.s32 @p0 $0x38;
	[sflag:s28] =	ssyncset.done @p0 $0x0  }
0x27: {  	s26 =	simm.s32 @p0 $0x7C80;
	[sflag:s28] =	ssyncadd.s32 @p0 $0xFFFFF380;
	s28 =	simm.s32 @p0 $0xB  }
0x28: {  	[tilespmem:s26], [sflag:$0x2] =	stream.indirect.gather @p0 [hbm4b:s4+s29], $0x40, s1, s29, $0xb8;
	[tilespmem:$0xD400] =	vst v63  }
0x29: {  	_ =	swait.ge @p0 [sflag:s28], $0xC80  }
0x2a: {  	s1 =	simm.s32 @p0 $0x70;
	[sflag:s28] =	ssyncset.done @p0 $0x0  }
0x2b: {  	s26 =	simm.s32 @p0 $0x8900;
	[sflag:s28] =	ssyncadd.s32 @p0 $0xFFFFF380;
	s28 =	simm.s32 @p0 $0xC  }
0x2c: {  	[tilespmem:s26], [sflag:$0x3] =	stream.indirect.gather @p0 [hbm4b:s4+s29], $0x40, s1, s29, $0xb8;
	[tilespmem:$0xD400] =	vst v63  }
0x2d: {  	_ =	swait.ge @p0 [sflag:s28], $0xC80  }
0x2e: {  	s1 =	simm.s32 @p0 $0xA8;
	[sflag:s28] =	ssyncset.done @p0 $0x0  }
0x2f: {  	s26 =	simm.s32 @p0 $0x9580;
	[sflag:s28] =	ssyncadd.s32 @p0 $0xFFFFF380;
	s28 =	simm.s32 @p0 $0xD  }
0x30: {  	[tilespmem:s26], [sflag:$0x4] =	stream.indirect.gather @p0 [hbm4b:s4+s29], $0x40, s1, s29, $0xb8;
	[tilespmem:$0xD400] =	vst v63  }
0x31: {  	_ =	swait.ge @p0 [sflag:s28], $0xC80  }
0x32: {  	s1 =	simm.s32 @p0 $0xE0;
	[sflag:s28] =	ssyncset.done @p0 $0x0  }
0x33: {  	s26 =	simm.s32 @p0 $0xA200;
	[sflag:s28] =	ssyncadd.s32 @p0 $0xFFFFF380;
	s28 =	simm.s32 @p0 $0xE  }
0x34: {  	[tilespmem:s26], [sflag:$0x5] =	stream.indirect.gather @p0 [hbm4b:s4+s29], $0x40, s1, s29, $0xb8;
	[tilespmem:$0xD400] =	vst v63  }
0x35: {  	_ =	swait.ge @p0 [sflag:s28], $0xC80  }
0x36: {  	s1 =	simm.s32 @p0 $0x118;
	[sflag:s28] =	ssyncset.done @p0 $0x0  }
0x37: {  	s26 =	simm.s32 @p0 $0xAE80;
	[sflag:s28] =	ssyncadd.s32 @p0 $0xFFFFF380;
	s28 =	simm.s32 @p0 $0xF  }
0x38: {  	[tilespmem:s26], [sflag:$0x6] =	stream.indirect.gather @p0 [hbm4b:s4+s29], $0x40, s1, s29, $0xb8;
	[tilespmem:$0xD400] =	vst v63  }
0x39: {  	_ =	swait.ge @p0 [sflag:s28], $0xC80  }
0x3a: {  	s1 =	simm.s32 @p0 $0x150;
	[sflag:s28] =	ssyncset.done @p0 $0x0  }
0x3b: {  	s26 =	simm.s32 @p0 $0xBB00;
	[sflag:s28] =	ssyncadd.s32 @p0 $0xFFFFF380;
	s28 =	simm.s32 @p0 $0x10  }
0x3c: {  	[tilespmem:s26], [sflag:$0x7] =	stream.indirect.gather @p0 [hbm4b:s4+s29], $0x40, s1, s29, $0xb8;
	[tilespmem:$0xD400] =	vst v63  }
0x3d: {  	_ =	swait.ge @p0 [sflag:s28], $0xC80  }
0x3e: {  	s1 =	simm.s32 @!p0 $0x7000;
	[sflag:s28] =	ssyncset.done @p0 $0x0  }
0x3f: {  	s26 =	simm.s32 @!p0 $0x32;
	[sflag:s28] =	ssyncadd.s32 @p0 $0xFFFFF380;
	s28 =	simm.s32 @!p0 $0x0  }
0x40: {  	[tilespmem:s1], [sflag:$0x1] =	stream.indirect.gather @!p0 [hbm4b:s4+s26], $0x40, s28, s26, $0xb8;
	[tilespmem:$0xD400] =	vst v63  }
0x41: {  	s1 =	simm.s32 @!p0 $0x38;
	s28 =	simm.s32 @!p0 $0x7C80  }
0x42: {  	[tilespmem:s28], [sflag:$0x2] =	stream.indirect.gather @!p0 [hbm4b:s4+s26], $0x40, s1, s26, $0xb8;
	[tilespmem:$0xD400] =	vst v63  }
0x43: {  	s1 =	simm.s32 @!p0 $0x70;
	s28 =	simm.s32 @!p0 $0x8900  }
0x44: {  	[tilespmem:s28], [sflag:$0x3] =	stream.indirect.gather @!p0 [hbm4b:s4+s26], $0x40, s1, s26, $0xb8;
	[tilespmem:$0xD400] =	vst v63  }
0x45: {  	s29 =	simm.s32 @!p0 $0x9580;
	s28 =	simm.s32 @!p0 $0xA8  }
0x46: {  	[tilespmem:s29], [sflag:$0x4] =	stream.indirect.gather @!p0 [hbm4b:s4+s26], $0x40, s28, s26, $0xb8;
	[tilespmem:$0xD400] =	vst v63  }
0x47: {  	s1 =	simm.s32 $0x0;
	s28 =	simm.s32 @!p0 $0xE0;
	s29 =	simm.s32 @!p0 $0xA200  }
0x48: {  	[tilespmem:s29], [sflag:$0x5] =	stream.indirect.gather @!p0 [hbm4b:s4+s26], $0x40, s28, s26, $0xb8;
	[tilespmem:$0xD400] =	vst v63  }
0x49: {  	s1 =	simm.s32 @!p1 $0x0;
	s28 =	simm.s32 @!p0 $0x118;
	s29 =	simm.s32 @!p0 $0xAE80  }
0x4a: {  	[tilespmem:s29], [sflag:$0x6] =	stream.indirect.gather @!p0 [hbm4b:s4+s26], $0x40, s28, s26, $0xb8;
	[tilespmem:$0xD400] =	vst v63  }
0x4b: {  	s1 =	sshra.s32 s1, $0x2;
	s28 =	simm.s32 @!p0 $0x150;
	s29 =	simm.s32 @!p0 $0xBB00  }
0x4c: {  	[tilespmem:s29], [sflag:$0x7] =	stream.indirect.gather @!p0 [hbm4b:s4+s26], $0x40, s28, s26, $0xb8;
	[tilespmem:$0xD400] =	vst v63  }
0x4d: {  	s30 =	rddreg [dreg:$0xb];
	s1 =	sadd.s32 $0x188, s1  }
0x4e: {  	[tilespmem:s8], [sflag:$0x8] =	stream.indirect.gather [hbm4b:s4+s30], $0x40, s1, s30, $0xb8;
	[tilespmem:$0xD400] =	vst v63  }
0x4f: {  	_ =	swait.ge [sflag:s9], $0xC80  }
0x50: {  	s5 =	rddreg [dreg:$0xa];
	[sflag:s9] =	ssyncset.done $0x0  }
0x51: {  	s6 =	rddreg [dreg:$0xc];
	[sflag:s9] =	ssyncadd.s32 $0xFFFFF380;
	s1 =	sadd.s32 s2, s5  }
0x52: {  	[hbm4b:s1+s3] =	stream.linear.scatter [tilespmem:s6], [sflag:$0x9], $0xC80, $0x38;
	[tilespmem:$0xD400] =	vst v63  }
0x53: {  	_ =	swait.ge [sflag:s10], $0xC80  }
0x54: {  	s7 =	rddreg [dreg:$0x9];
	[sflag:s10] =	ssyncset.done $0x0  }
0x55: {  	s17 =	rddreg [dreg:$0xd];
	[sflag:s10] =	ssyncadd.s32 $0xFFFFF380;
	s1 =	sadd.s32 s2, s7  }
0x56: {  	[hbm4b:s1+s3] =	stream.linear.scatter [tilespmem:s17], [sflag:$0xA], $0xC80, $0x38;
	[tilespmem:$0xD400] =	vst v63  }
0x57: {  	_ =	swait.ge [sflag:s11], $0xC80  }
0x58: {  	s18 =	rddreg [dreg:$0x8];
	[sflag:s11] =	ssyncset.done $0x0  }
0x59: {  	s19 =	rddreg [dreg:$0xe];
	[sflag:s11] =	ssyncadd.s32 $0xFFFFF380;
	s1 =	sadd.s32 s2, s18  }
0x5a: {  	[hbm4b:s1+s3] =	stream.linear.scatter [tilespmem:s19], [sflag:$0xB], $0xC80, $0x38;
	[tilespmem:$0xD400] =	vst v63  }
0x5b: {  	_ =	swait.ge [sflag:s12], $0xC80  }
0x5c: {  	s31 =	rddreg [dreg:$0x7];
	[sflag:s12] =	ssyncset.done $0x0  }
0x5d: {  	s0 =	rddreg [dreg:$0xf];
	[sflag:s12] =	ssyncadd.s32 $0xFFFFF380;
	s1 =	sadd.s32 s2, s31  }
0x5e: {  	[hbm4b:s1+s3] =	stream.linear.scatter [tilespmem:s0], [sflag:$0xC], $0xC80, $0x38;
	[tilespmem:$0xD400] =	vst v63  }
0x5f: {  	_ =	swait.ge [sflag:s13], $0xC80  }
0x60: {  	s5 =	rddreg [dreg:$0x6];
	[sflag:s13] =	ssyncset.done $0x0  }
0x61: {  	s6 =	rddreg [dreg:$0x10];
	[sflag:s13] =	ssyncadd.s32 $0xFFFFF380;
	s1 =	sadd.s32 s2, s5  }
0x62: {  	[hbm4b:s1+s3] =	stream.linear.scatter [tilespmem:s6], [sflag:$0xD], $0xC80, $0x38;
	[tilespmem:$0xD400] =	vst v63  }
0x63: {  	_ =	swait.ge [sflag:s14], $0xC80  }
0x64: {  	s7 =	rddreg [dreg:$0x5];
	[sflag:s14] =	ssyncset.done $0x0  }
0x65: {  	s17 =	rddreg [dreg:$0x11];
	[sflag:s14] =	ssyncadd.s32 $0xFFFFF380;
	s1 =	sadd.s32 s2, s7  }
0x66: {  	[hbm4b:s1+s3] =	stream.linear.scatter [tilespmem:s17], [sflag:$0xE], $0xC80, $0x38;
	[tilespmem:$0xD400] =	vst v63  }
0x67: {  	_ =	swait.ge [sflag:s15], $0xC80  }
0x68: {  	p0 =	por $0x1, $0x1;
	s18 =	rddreg [dreg:$0x4];
	[sflag:s15] =	ssyncset.done $0x0  }
0x69: {  	s19 =	rddreg [dreg:$0x12];
	[sflag:s15] =	ssyncadd.s32 $0xFFFFF380;
	s1 =	sadd.s32 s2, s18  }
0x6a: {  	[hbm4b:s1+s3] =	stream.linear.scatter [tilespmem:s19], [sflag:$0xF], $0xC80, $0x38;
	[tilespmem:$0xD400] =	vst v63  }
0x6b: {  	s29 =	simm.s32 $0xE00;
	s26 =	sadd.s32 $0xC80, s2;
	s1 =	simm.s32 $0x700  }
0x6c: {  	s30 =	simm.s32 $0x700;
	_ =	swait.ge [sflag:s16], $0xC80;
	s1 =	simm.s32 @!p0 $0x0  }
0x6d: {  	p0 =	por p0, p0;
	s31 =	rddreg [dreg:$0x3];
	[sflag:s16] =	ssyncset.done $0x0  }
0x6e: {  	s28 =	sshra.s32 s1, $0x2;
	[sflag:s16] =	ssyncadd.s32 $0xFFFFF380;
	s1 =	sadd.s32 s2, s31  }
.LBB2_2:
0x6f: {  	[hbm4b:s1+s3] =	stream.linear.scatter [tilespmem:s8], [sflag:$0x10], $0xC80, $0x38;
	[tilespmem:$0xD400] =	vst v63  }
0x70: {  	s1 =	simm.s32 @p0 $0x9  }
0x71: {  	s0 =	smov.u32 s29;
	s5 =	simm.s32 @p0 $0x7000;
	_ =	swait.ge @p0 [sflag:s1], $0xC80  }
0x72: {  	s6 =	simm.s32 @p0 $0xA;
	s30 =	sshra.s32 @p0 s30, $0x2;
	[sflag:s1] =	ssyncset.done @p0 $0x0  }
0x73: {  	s19 =	simm.s32 @p0 $0xB;
	[sflag:s1] =	ssyncadd.s32 @p0 $0xFFFFF380;
	s1 =	simm.s32 @p0 $0x32  }
0x74: {  	[tilespmem:s5], [sflag:$0x1] =	stream.indirect.gather @p0 [hbm4b:s4+s1], $0x40, s30, s1, $0xb8;
	[tilespmem:$0xD400] =	vst v63  }
0x75: {  	p2 =	sne.s32 s0, $0x0;
	s31 =	smov.u32 s0;
	_ =	swait.ge @p0 [sflag:s6], $0xC80  }
0x76: {  	s7 =	sadd.s32 @p0 $0xA8, s30;
	s17 =	sadd.s32 @p0 $0x70, s30;
	[sflag:s6] =	ssyncset.done @p0 $0x0  }
0x77: {  	s5 =	sadd.s32 @p0 $0x38, s30;
	[sflag:s6] =	ssyncadd.s32 @p0 $0xFFFFF380;
	s6 =	simm.s32 @p0 $0x7C80  }
0x78: {  	[tilespmem:s6], [sflag:$0x2] =	stream.indirect.gather @p0 [hbm4b:s4+s1], $0x40, s5, s1, $0xb8;
	[tilespmem:$0xD400] =	vst v63  }
0x79: {  	s18 =	sadd.s32 @p0 $0xE0, s30;
	s5 =	sadd.s32 @p0 $0x118, s30;
	_ =	swait.ge @p0 [sflag:s19], $0xC80  }
0x7a: {  	s6 =	sadd.s32 @p0 $0x150, s30;
	s30 =	smov.u32 s0;
	[sflag:s19] =	ssyncset.done @p0 $0x0  }
0x7b: {  	s0 =	simm.s32 @p0 $0x8900;
	[sflag:s19] =	ssyncadd.s32 @p0 $0xFFFFF380;
	s19 =	simm.s32 @p0 $0xC  }
0x7c: {  	[tilespmem:s0], [sflag:$0x3] =	stream.indirect.gather @p0 [hbm4b:s4+s1], $0x40, s17, s1, $0xb8;
	[tilespmem:$0xD400] =	vst v63  }
0x7d: {  	_ =	swait.ge @p0 [sflag:s19], $0xC80  }
0x7e: {  	[sflag:s19] =	ssyncset.done @p0 $0x0  }
0x7f: {  	s0 =	simm.s32 @p0 $0x9580;
	s17 =	simm.s32 @p0 $0xD;
	[sflag:s19] =	ssyncadd.s32 @p0 $0xFFFFF380  }
0x80: {  	[tilespmem:s0], [sflag:$0x4] =	stream.indirect.gather @p0 [hbm4b:s4+s1], $0x40, s7, s1, $0xb8;
	[tilespmem:$0xD400] =	vst v63  }
0x81: {  	_ =	swait.ge @p0 [sflag:s17], $0xC80  }
0x82: {  	[sflag:s17] =	ssyncset.done @p0 $0x0  }
0x83: {  	s0 =	simm.s32 @p0 $0xA200;
	s7 =	simm.s32 @p0 $0xE;
	[sflag:s17] =	ssyncadd.s32 @p0 $0xFFFFF380  }
0x84: {  	[tilespmem:s0], [sflag:$0x5] =	stream.indirect.gather @p0 [hbm4b:s4+s1], $0x40, s18, s1, $0xb8;
	[tilespmem:$0xD400] =	vst v63  }
0x85: {  	_ =	swait.ge @p0 [sflag:s7], $0xC80  }
0x86: {  	[sflag:s7] =	ssyncset.done @p0 $0x0  }
0x87: {  	s0 =	simm.s32 @p0 $0xAE80;
	[sflag:s7] =	ssyncadd.s32 @p0 $0xFFFFF380;
	s7 =	simm.s32 @p0 $0xF  }
0x88: {  	[tilespmem:s0], [sflag:$0x6] =	stream.indirect.gather @p0 [hbm4b:s4+s1], $0x40, s5, s1, $0xb8;
	[tilespmem:$0xD400] =	vst v63  }
0x89: {  	_ =	swait.ge @p0 [sflag:s7], $0xC80  }
0x8a: {  	[sflag:s7] =	ssyncset.done @p0 $0x0  }
0x8b: {  	s0 =	simm.s32 @p0 $0xBB00;
	s5 =	simm.s32 @p0 $0x10;
	[sflag:s7] =	ssyncadd.s32 @p0 $0xFFFFF380  }
0x8c: {  	[tilespmem:s0], [sflag:$0x7] =	stream.indirect.gather @p0 [hbm4b:s4+s1], $0x40, s6, s1, $0xb8;
	[tilespmem:$0xD400] =	vst v63  }
0x8d: {  	_ =	swait.ge @p0 [sflag:s5], $0xC80  }
0x8e: {  	s0 =	simm.s32 @!p0 $0x7000;
	[sflag:s5] =	ssyncset.done @p0 $0x0  }
0x8f: {  	s1 =	simm.s32 @!p0 $0x32;
	[sflag:s5] =	ssyncadd.s32 @p0 $0xFFFFF380;
	s5 =	simm.s32 @!p0 $0x0  }
0x90: {  	[tilespmem:s0], [sflag:$0x1] =	stream.indirect.gather @!p0 [hbm4b:s4+s1], $0x40, s5, s1, $0xb8;
	[tilespmem:$0xD400] =	vst v63  }
0x91: {  	s0 =	simm.s32 @!p0 $0x38;
	s5 =	simm.s32 @!p0 $0x7C80  }
0x92: {  	[tilespmem:s5], [sflag:$0x2] =	stream.indirect.gather @!p0 [hbm4b:s4+s1], $0x40, s0, s1, $0xb8;
	[tilespmem:$0xD400] =	vst v63  }
0x93: {  	s0 =	simm.s32 @!p0 $0x70;
	s5 =	simm.s32 @!p0 $0x8900  }
0x94: {  	[tilespmem:s5], [sflag:$0x3] =	stream.indirect.gather @!p0 [hbm4b:s4+s1], $0x40, s0, s1, $0xb8;
	[tilespmem:$0xD400] =	vst v63  }
0x95: {  	s0 =	simm.s32 @!p0 $0xA8;
	s5 =	simm.s32 @!p0 $0x9580  }
0x96: {  	[tilespmem:s5], [sflag:$0x4] =	stream.indirect.gather @!p0 [hbm4b:s4+s1], $0x40, s0, s1, $0xb8;
	[tilespmem:$0xD400] =	vst v63  }
0x97: {  	s0 =	simm.s32 @!p0 $0xE0;
	s5 =	simm.s32 @!p0 $0xA200  }
0x98: {  	[tilespmem:s5], [sflag:$0x5] =	stream.indirect.gather @!p0 [hbm4b:s4+s1], $0x40, s0, s1, $0xb8;
	[tilespmem:$0xD400] =	vst v63  }
0x99: {  	s0 =	simm.s32 @!p0 $0x118;
	s5 =	simm.s32 @!p0 $0xAE80  }
0x9a: {  	[tilespmem:s5], [sflag:$0x6] =	stream.indirect.gather @!p0 [hbm4b:s4+s1], $0x40, s0, s1, $0xb8;
	[tilespmem:$0xD400] =	vst v63  }
0x9b: {  	s0 =	simm.s32 @!p0 $0x150;
	s5 =	simm.s32 @!p0 $0xBB00  }
0x9c: {  	[tilespmem:s5], [sflag:$0x7] =	stream.indirect.gather @!p0 [hbm4b:s4+s1], $0x40, s0, s1, $0xb8;
	[tilespmem:$0xD400] =	vst v63  }
0x9d: {  	s19 =	sadd.s32 $0x188, s28;
	s18 =	rddreg [dreg:$0xb]  }
0x9e: {  	[tilespmem:s8], [sflag:$0x8] =	stream.indirect.gather [hbm4b:s4+s18], $0x40, s19, s18, $0xb8;
	[tilespmem:$0xD400] =	vst v63  }
0x9f: {  	_ =	swait.ge [sflag:s9], $0xC80  }
0xa0: {  	s1 =	rddreg [dreg:$0xa];
	[sflag:s9] =	ssyncset.done $0x0  }
0xa1: {  	s5 =	rddreg [dreg:$0xc];
	[sflag:s9] =	ssyncadd.s32 $0xFFFFF380;
	s0 =	sadd.s32 s26, s1  }
0xa2: {  	[hbm4b:s0+s3] =	stream.linear.scatter [tilespmem:s5], [sflag:$0x9], $0xC80, $0x38;
	[tilespmem:$0xD400] =	vst v63  }
0xa3: {  	_ =	swait.ge [sflag:s10], $0xC80  }
0xa4: {  	s6 =	rddreg [dreg:$0x9];
	[sflag:s10] =	ssyncset.done $0x0  }
0xa5: {  	s7 =	rddreg [dreg:$0xd];
	[sflag:s10] =	ssyncadd.s32 $0xFFFFF380;
	s0 =	sadd.s32 s26, s6  }
0xa6: {  	[hbm4b:s0+s3] =	stream.linear.scatter [tilespmem:s7], [sflag:$0xA], $0xC80, $0x38;
	[tilespmem:$0xD400] =	vst v63  }
0xa7: {  	_ =	swait.ge [sflag:s11], $0xC80  }
0xa8: {  	s31 =	simm.s32 @!p2 $0x0;
	s17 =	rddreg [dreg:$0x8];
	[sflag:s11] =	ssyncset.done $0x0  }
0xa9: {  	s18 =	rddreg [dreg:$0xe];
	[sflag:s11] =	ssyncadd.s32 $0xFFFFF380;
	s0 =	sadd.s32 s26, s17  }
0xaa: {  	[hbm4b:s0+s3] =	stream.linear.scatter [tilespmem:s18], [sflag:$0xB], $0xC80, $0x38;
	[tilespmem:$0xD400] =	vst v63  }
0xab: {  	s31 =	sshra.s32 s31, $0x2;
	_ =	swait.ge [sflag:s12], $0xC80  }
0xac: {  	s28 =	smov.u32 s31;
	s19 =	rddreg [dreg:$0x7];
	[sflag:s12] =	ssyncset.done $0x0  }
0xad: {  	s31 =	rddreg [dreg:$0xf];
	[sflag:s12] =	ssyncadd.s32 $0xFFFFF380;
	s0 =	sadd.s32 s26, s19  }
0xae: {  	[hbm4b:s0+s3] =	stream.linear.scatter [tilespmem:s31], [sflag:$0xC], $0xC80, $0x38;
	[tilespmem:$0xD400] =	vst v63  }
0xaf: {  	_ =	swait.ge [sflag:s13], $0xC80  }
0xb0: {  	s5 =	rddreg [dreg:$0x6];
	[sflag:s13] =	ssyncset.done $0x0  }
0xb1: {  	s6 =	rddreg [dreg:$0x10];
	[sflag:s13] =	ssyncadd.s32 $0xFFFFF380;
	s0 =	sadd.s32 s26, s5  }
0xb2: {  	[hbm4b:s0+s3] =	stream.linear.scatter [tilespmem:s6], [sflag:$0xD], $0xC80, $0x38;
	[tilespmem:$0xD400] =	vst v63  }
0xb3: {  	_ =	swait.ge [sflag:s14], $0xC80  }
0xb4: {  	s7 =	rddreg [dreg:$0x5];
	[sflag:s14] =	ssyncset.done $0x0  }
0xb5: {  	s17 =	rddreg [dreg:$0x11];
	[sflag:s14] =	ssyncadd.s32 $0xFFFFF380;
	s0 =	sadd.s32 s26, s7  }
0xb6: {  	[hbm4b:s0+s3] =	stream.linear.scatter [tilespmem:s17], [sflag:$0xE], $0xC80, $0x38;
	[tilespmem:$0xD400] =	vst v63  }
0xb7: {  	_ =	swait.ge [sflag:s15], $0xC80  }
0xb8: {  	s29 =	sadd.s32 $0x700, s29;
	s18 =	rddreg [dreg:$0x4]  }
0xb9: {  	p1 =	sne.s32 s29, $0x1C000;
	s19 =	rddreg [dreg:$0x12];
	[sflag:s15] =	ssyncset.done $0x0  }
.Ltmp0:
0xba: {  	[sflag:s15] =	ssyncadd.s32 $0xFFFFF380;
	s0 =	sadd.s32 s26, s18;
	(pc) =	sbr.rel @p1 .LBB2_2-.Ltmp0, $4  }
0xbb: {  	[hbm4b:s0+s3] =	stream.linear.scatter [tilespmem:s19], [sflag:$0xF], $0xC80, $0x38;
	[tilespmem:$0xD400] =	vst v63  }
0xbc: {  	_ =	swait.ge [sflag:s16], $0xC80  }
0xbd: {  	p0 =	por p2, p2;
	[sflag:s16] =	ssyncset.done $0x0;
	s31 =	rddreg [dreg:$0x3]  }
0xbe: {  	[sflag:s16] =	ssyncadd.s32 $0xFFFFF380;
	s1 =	sadd.s32 s26, s31;
	s26 =	sadd.s32 $0xC80, s26  }
0xbf: {  	[hbm4b:s1+s3] =	stream.linear.scatter [tilespmem:s8], [sflag:$0x10], $0xC80, $0x38;
	[tilespmem:$0xD400] =	vst v63  }
0xc0: {  	s0 =	simm.s32 @p0 $0x9  }
0xc1: {  	_ =	swait.ge @p0 [sflag:s0], $0xC80  }
0xc2: {  	s1 =	simm.s32 @p0 $0x7000;
	s5 =	simm.s32 @p0 $0xA;
	[sflag:s0] =	ssyncset.done @p0 $0x0  }
0xc3: {  	s6 =	simm.s32 @p0 $0x32;
	[sflag:s0] =	ssyncadd.s32 @p0 $0xFFFFF380;
	s0 =	sshra.s32 @p0 s30, $0x2  }
0xc4: {  	[tilespmem:s1], [sflag:$0x1] =	stream.indirect.gather @p0 [hbm4b:s4+s6], $0x40, s0, s6, $0xb8;
	[tilespmem:$0xD400] =	vst v63  }
0xc5: {  	_ =	swait.ge @p0 [sflag:s5], $0xC80  }
0xc6: {  	[sflag:s5] =	ssyncset.done @p0 $0x0  }
0xc7: {  	s1 =	sadd.s32 @p0 $0x38, s0;
	[sflag:s5] =	ssyncadd.s32 @p0 $0xFFFFF380;
	s5 =	simm.s32 @p0 $0x7C80  }
0xc8: {  	[tilespmem:s5], [sflag:$0x2] =	stream.indirect.gather @p0 [hbm4b:s4+s6], $0x40, s1, s6, $0xb8;
	[tilespmem:$0xD400] =	vst v63  }
0xc9: {  	s1 =	simm.s32 @p0 $0xB  }
0xca: {  	_ =	swait.ge @p0 [sflag:s1], $0xC80  }
0xcb: {  	[sflag:s1] =	ssyncset.done @p0 $0x0  }
0xcc: {  	s5 =	sadd.s32 @p0 $0x70, s0;
	[sflag:s1] =	ssyncadd.s32 @p0 $0xFFFFF380;
	s1 =	simm.s32 @p0 $0x8900  }
0xcd: {  	[tilespmem:s1], [sflag:$0x3] =	stream.indirect.gather @p0 [hbm4b:s4+s6], $0x40, s5, s6, $0xb8;
	[tilespmem:$0xD400] =	vst v63  }
0xce: {  	s1 =	simm.s32 @p0 $0xC  }
0xcf: {  	_ =	swait.ge @p0 [sflag:s1], $0xC80  }
0xd0: {  	[sflag:s1] =	ssyncset.done @p0 $0x0  }
0xd1: {  	s5 =	sadd.s32 @p0 $0xA8, s0;
	[sflag:s1] =	ssyncadd.s32 @p0 $0xFFFFF380;
	s1 =	simm.s32 @p0 $0x9580  }
0xd2: {  	[tilespmem:s1], [sflag:$0x4] =	stream.indirect.gather @p0 [hbm4b:s4+s6], $0x40, s5, s6, $0xb8;
	[tilespmem:$0xD400] =	vst v63  }
0xd3: {  	s1 =	simm.s32 @p0 $0xD  }
0xd4: {  	_ =	swait.ge @p0 [sflag:s1], $0xC80  }
0xd5: {  	[sflag:s1] =	ssyncset.done @p0 $0x0  }
0xd6: {  	s5 =	sadd.s32 @p0 $0xE0, s0;
	[sflag:s1] =	ssyncadd.s32 @p0 $0xFFFFF380;
	s1 =	simm.s32 @p0 $0xA200  }
0xd7: {  	[tilespmem:s1], [sflag:$0x5] =	stream.indirect.gather @p0 [hbm4b:s4+s6], $0x40, s5, s6, $0xb8;
	[tilespmem:$0xD400] =	vst v63  }
0xd8: {  	s1 =	simm.s32 @p0 $0xE  }
0xd9: {  	_ =	swait.ge @p0 [sflag:s1], $0xC80  }
0xda: {  	[sflag:s1] =	ssyncset.done @p0 $0x0  }
0xdb: {  	s5 =	sadd.s32 @p0 $0x118, s0;
	[sflag:s1] =	ssyncadd.s32 @p0 $0xFFFFF380;
	s1 =	simm.s32 @p0 $0xAE80  }
0xdc: {  	[tilespmem:s1], [sflag:$0x6] =	stream.indirect.gather @p0 [hbm4b:s4+s6], $0x40, s5, s6, $0xb8;
	[tilespmem:$0xD400] =	vst v63  }
0xdd: {  	s1 =	simm.s32 @p0 $0xF  }
0xde: {  	_ =	swait.ge @p0 [sflag:s1], $0xC80  }
0xdf: {  	s0 =	sadd.s32 @p0 $0x150, s0;
	[sflag:s1] =	ssyncset.done @p0 $0x0  }
0xe0: {  	s5 =	simm.s32 @p0 $0x10;
	[sflag:s1] =	ssyncadd.s32 @p0 $0xFFFFF380;
	s1 =	simm.s32 @p0 $0xBB00  }
0xe1: {  	[tilespmem:s1], [sflag:$0x7] =	stream.indirect.gather @p0 [hbm4b:s4+s6], $0x40, s0, s6, $0xb8;
	[tilespmem:$0xD400] =	vst v63  }
0xe2: {  	_ =	swait.ge @p0 [sflag:s5], $0xC80  }
0xe3: {  	s0 =	simm.s32 @!p0 $0x7000;
	[sflag:s5] =	ssyncset.done @p0 $0x0  }
0xe4: {  	s1 =	simm.s32 @!p0 $0x32;
	[sflag:s5] =	ssyncadd.s32 @p0 $0xFFFFF380;
	s5 =	simm.s32 @!p0 $0x0  }
0xe5: {  	[tilespmem:s0], [sflag:$0x1] =	stream.indirect.gather @!p0 [hbm4b:s4+s1], $0x40, s5, s1, $0xb8;
	[tilespmem:$0xD400] =	vst v63  }
0xe6: {  	s0 =	simm.s32 @!p0 $0x38;
	s5 =	simm.s32 @!p0 $0x7C80  }
0xe7: {  	[tilespmem:s5], [sflag:$0x2] =	stream.indirect.gather @!p0 [hbm4b:s4+s1], $0x40, s0, s1, $0xb8;
	[tilespmem:$0xD400] =	vst v63  }
0xe8: {  	s0 =	simm.s32 @!p0 $0x70;
	s5 =	simm.s32 @!p0 $0x8900  }
0xe9: {  	[tilespmem:s5], [sflag:$0x3] =	stream.indirect.gather @!p0 [hbm4b:s4+s1], $0x40, s0, s1, $0xb8;
	[tilespmem:$0xD400] =	vst v63  }
0xea: {  	s0 =	simm.s32 @!p0 $0xA8;
	s5 =	simm.s32 @!p0 $0x9580  }
0xeb: {  	[tilespmem:s5], [sflag:$0x4] =	stream.indirect.gather @!p0 [hbm4b:s4+s1], $0x40, s0, s1, $0xb8;
	[tilespmem:$0xD400] =	vst v63  }
0xec: {  	s0 =	simm.s32 @!p0 $0xE0;
	s5 =	simm.s32 @!p0 $0xA200  }
0xed: {  	[tilespmem:s5], [sflag:$0x5] =	stream.indirect.gather @!p0 [hbm4b:s4+s1], $0x40, s0, s1, $0xb8;
	[tilespmem:$0xD400] =	vst v63  }
0xee: {  	s0 =	simm.s32 @!p0 $0x118;
	s5 =	simm.s32 @!p0 $0xAE80  }
0xef: {  	[tilespmem:s5], [sflag:$0x6] =	stream.indirect.gather @!p0 [hbm4b:s4+s1], $0x40, s0, s1, $0xb8;
	[tilespmem:$0xD400] =	vst v63  }
0xf0: {  	s0 =	simm.s32 @!p0 $0x150;
	s5 =	simm.s32 @!p0 $0xBB00  }
0xf1: {  	[tilespmem:s5], [sflag:$0x7] =	stream.indirect.gather @!p0 [hbm4b:s4+s1], $0x40, s0, s1, $0xb8;
	[tilespmem:$0xD400] =	vst v63  }
0xf2: {  	s31 =	rddreg [dreg:$0xb];
	s5 =	sadd.s32 $0x188, s28  }
0xf3: {  	[tilespmem:s8], [sflag:$0x8] =	stream.indirect.gather [hbm4b:s4+s31], $0x40, s5, s31, $0xb8;
	[tilespmem:$0xD400] =	vst v63  }
0xf4: {  	_ =	swait.ge [sflag:s9], $0xC80  }
0xf5: {  	s7 =	rddreg [dreg:$0xa];
	[sflag:s9] =	ssyncset.done $0x0  }
0xf6: {  	s17 =	rddreg [dreg:$0xc];
	[sflag:s9] =	ssyncadd.s32 $0xFFFFF380;
	s0 =	sadd.s32 s26, s7  }
0xf7: {  	[hbm4b:s0+s3] =	stream.linear.scatter [tilespmem:s17], [sflag:$0x9], $0xC80, $0x38;
	[tilespmem:$0xD400] =	vst v63  }
0xf8: {  	_ =	swait.ge [sflag:s10], $0xC80  }
0xf9: {  	s18 =	rddreg [dreg:$0x9];
	[sflag:s10] =	ssyncset.done $0x0  }
0xfa: {  	s19 =	rddreg [dreg:$0xd];
	[sflag:s10] =	ssyncadd.s32 $0xFFFFF380;
	s0 =	sadd.s32 s26, s18  }
0xfb: {  	[hbm4b:s0+s3] =	stream.linear.scatter [tilespmem:s19], [sflag:$0xA], $0xC80, $0x38;
	[tilespmem:$0xD400] =	vst v63  }
0xfc: {  	_ =	swait.ge [sflag:s11], $0xC80  }
0xfd: {  	s28 =	rddreg [dreg:$0x8];
	[sflag:s11] =	ssyncset.done $0x0  }
0xfe: {  	s29 =	rddreg [dreg:$0xe];
	[sflag:s11] =	ssyncadd.s32 $0xFFFFF380;
	s0 =	sadd.s32 s26, s28  }
0xff: {  	[hbm4b:s0+s3] =	stream.linear.scatter [tilespmem:s29], [sflag:$0xB], $0xC80, $0x38;
	[tilespmem:$0xD400] =	vst v63  }
0x100: {  	_ =	swait.ge [sflag:s12], $0xC80  }
0x101: {  	s30 =	rddreg [dreg:$0x7];
	[sflag:s12] =	ssyncset.done $0x0  }
0x102: {  	s31 =	rddreg [dreg:$0xf];
	[sflag:s12] =	ssyncadd.s32 $0xFFFFF380;
	s0 =	sadd.s32 s26, s30  }
0x103: {  	[hbm4b:s0+s3] =	stream.linear.scatter [tilespmem:s31], [sflag:$0xC], $0xC80, $0x38;
	[tilespmem:$0xD400] =	vst v63  }
0x104: {  	_ =	swait.ge [sflag:s13], $0xC80  }
0x105: {  	s1 =	rddreg [dreg:$0x6];
	[sflag:s13] =	ssyncset.done $0x0  }
0x106: {  	s5 =	rddreg [dreg:$0x10];
	[sflag:s13] =	ssyncadd.s32 $0xFFFFF380;
	s0 =	sadd.s32 s26, s1  }
0x107: {  	[hbm4b:s0+s3] =	stream.linear.scatter [tilespmem:s5], [sflag:$0xD], $0xC80, $0x38;
	[tilespmem:$0xD400] =	vst v63  }
0x108: {  	_ =	swait.ge [sflag:s14], $0xC80  }
0x109: {  	s6 =	rddreg [dreg:$0x5];
	[sflag:s14] =	ssyncset.done $0x0  }
0x10a: {  	s7 =	rddreg [dreg:$0x11];
	[sflag:s14] =	ssyncadd.s32 $0xFFFFF380;
	s0 =	sadd.s32 s26, s6  }
0x10b: {  	[hbm4b:s0+s3] =	stream.linear.scatter [tilespmem:s7], [sflag:$0xE], $0xC80, $0x38;
	[tilespmem:$0xD400] =	vst v63  }
0x10c: {  	_ =	swait.ge [sflag:s15], $0xC80  }
0x10d: {  	s17 =	rddreg [dreg:$0x4];
	[sflag:s15] =	ssyncset.done $0x0  }
0x10e: {  	s18 =	rddreg [dreg:$0x12];
	[sflag:s15] =	ssyncadd.s32 $0xFFFFF380;
	s0 =	sadd.s32 s26, s17  }
0x10f: {  	[hbm4b:s0+s3] =	stream.linear.scatter [tilespmem:s18], [sflag:$0xF], $0xC80, $0x38;
	[tilespmem:$0xD400] =	vst v63  }
0x110: {  	_ =	swait.ge [sflag:s16], $0xC80  }
0x111: {  	s19 =	rddreg [dreg:$0x3];
	[sflag:s16] =	ssyncset.done $0x0  }
0x112: {  	s28 =	simm.s32 $0x9;
	s0 =	sadd.s32 s26, s19;
	[sflag:s16] =	ssyncadd.s32 $0xFFFFF380  }
0x113: {  	[hbm4b:s0+s3] =	stream.linear.scatter [tilespmem:s8], [sflag:$0x10], $0xC80, $0x38;
	[tilespmem:$0xD400] =	vst v63  }
0x114: {  	_ =	swait.ge [sflag:s28], $0xC80  }
0x115: {  	[sflag:s28] =	ssyncset.done $0x0  }
0x116: {  	s29 =	simm.s32 $0xA;
	[sflag:s28] =	ssyncadd.s32 $0xFFFFF380  }
0x117: {  	_ =	swait.ge [sflag:s29], $0xC80  }
0x118: {  	[sflag:s29] =	ssyncset.done $0x0  }
0x119: {  	s30 =	simm.s32 $0xB;
	[sflag:s29] =	ssyncadd.s32 $0xFFFFF380  }
0x11a: {  	_ =	swait.ge [sflag:s30], $0xC80  }
0x11b: {  	[sflag:s30] =	ssyncset.done $0x0  }
0x11c: {  	[sflag:s30] =	ssyncadd.s32 $0xFFFFF380  }
0x11d: {  	_ =	swait.ge [sflag:s20], $0xC80  }
0x11e: {  	[sflag:s20] =	ssyncset.done $0x0  }
0x11f: {  	[sflag:s20] =	ssyncadd.s32 $0xFFFFF380  }
0x120: {  	_ =	swait.ge [sflag:s21], $0xC80  }
0x121: {  	[sflag:s21] =	ssyncset.done $0x0  }
0x122: {  	[sflag:s21] =	ssyncadd.s32 $0xFFFFF380  }
0x123: {  	_ =	swait.ge [sflag:s22], $0xC80  }
0x124: {  	[sflag:s22] =	ssyncset.done $0x0  }
0x125: {  	[sflag:s22] =	ssyncadd.s32 $0xFFFFF380  }
0x126: {  	_ =	swait.ge [sflag:s23], $0xC80  }
0x127: {  	[sflag:s23] =	ssyncset.done $0x0  }
0x128: {  	[sflag:s23] =	ssyncadd.s32 $0xFFFFF380  }
0x129: {  	_ =	swait.ge [sflag:s24], $0xC80  }
0x12a: {  	s25 =	sadd.s32 $0x1, s25;
	s31 =	rddreg [dreg:$0x14]  }
0x12b: {  	p0 =	sne.s32 s25, s31  }
.Ltmp1:
0x12c: {  	_ = 	snop;
	(pc) =	sbr.rel @p0 .LBB2_1-.Ltmp1, $3  }
0x12d: {  	_ =	sdelay $0x1  }
0x12e: {  	[sflag:s24] =	ssyncset.done $0x0  }
0x12f: {  	[sflag:s24] =	ssyncadd.s32 $0xFFFFF380  }
0x130: {  	_ =	sfence.sel $0x180000  }
0x131: {  	[bflag:$0x0] =	sbarrier.arrive $0xFFFF  }
0x132: {  	_ =	strace $0x90000047  }
0x133: {  	s0 =	stileid.u32;
	[bflag:$0x2] =	sbarrier.arrive $0xFFFF  }
0x134: {  	p0 =	sne.s32 s0, $0x0;
	s0 =	rddreg [dreg:$0x2]  }
0x135: {  	s0 =	sadd.s32 @!p0 $0x100000, s0  }
0x136: {  	[sflag:s0] =	ssyncadd.tile.s32 @!p0 $0x1;
	_ =	shalt  }
.Lfunc_end2:
_tile_overlayer_lowered:
.L_overlay_start_2:
0x137: {  	(tag) =	ssettag $0x2  }
0x138: {  	s0 =	rddreg [dreg:$0x0];
	s2 =	stileid.u32  }
0x139: {  	s1 =	rddreg [dreg:$0x1];
	p0 =	sne.s32 s2, $0x0  }
0x13a: {  	s3 =	rddreg [dreg:$0x2];
	[bflag:$0x3] =	sbarrier.arrive $0xFFFF;
	s2 =	simm.s32 @!p0 $0x1C11  }
0x13b: {  	[timem:s3], [sflag:s2] =	dma.local @!p0 [hbm:s0], s1  }
0x13c: {  	s0 =	simm.s32 @!p0 $0x11  }
0x13d: {  	_ =	swait.ge @!p0 [sflag:s0], s1  }
0x13e: {  	s1 =	ssub.s32 @!p0 $0x0, s1;
	[sflag:s0] =	ssyncset.done @!p0 $0x0  }
0x13f: {  	[sflag:s0] =	ssyncadd.s32 @!p0 s1  }
0x140: {  	[bflag:$0x3] =	sbarrier.arrive $0xFFFF  }
0x141: {  	_ =	shalt  }

// kernel: sparse-core-data-format-call.cloned.1.call-start
scs
called_computation_lowered:
.L_overlay_start_0:
0x0: {  	s2 =	sld [smem:$0x3FD9]  }
0x1: {  	s3 =	sld [smem:$0x3FFE];
	_ =	sdelay $0x1  }
0x2: {  	s1 =	srdreg.scid  }
0x3: {  	s0 =	sand.u32 $0x1, s1  }
0x4: {  	s18 =	sshll.u32 s0, $0xA;
	s2 =	sadd.s32 s3, s2  }
0x5: {  	s2 =	sadd.s32 s2, s18  }
0x6: {  	[smem:$0x3FC6] =	sst s2  }
0x7: {  	_ = 	snop  }
0x8: {  	s2 =	sld [smem:$0x3FD0];
	(tm) =	ssettm $0x1  }
0x9: {  	s19 =	sld [smem:$0x3FFB];
	_ =	sdelay $0x3  }
0xa: {  	_ =	strace s19  }
0xb: {  	s3 =	sld [smem:$0x3FFC];
	_ =	sdelay $0x3  }
0xc: {  	_ =	strace s3  }
0xd: {  	s3 =	sld [smem:$0x3FFD];
	_ =	sdelay $0x3  }
0xe: {  	_ =	strace s3  }
0xf: {  	_ =	strace $0x8FFFFFFF  }
0x10: {  	s20 =	sld [smem:$0x3FDB];
	_ =	sdelay $0x1  }
0x11: {  	s4 =	simm.s32 $_scs_section_size  }
0x12: {  	s5 =	simm.s32 $_size__tile_overlayer_lowered;
	s6 =	simm.s32 $_tile_overlayer_lowered  }
0x13: {  	s23 =	simm.s32 $0x1BFF;
	s22 =	sshll.u32 s6, $0x1;
	s3 =	sadd.s32 s4, s20  }
0x14: {  	s7 =	simm.s32 $0x0;
	s21 =	sshll.u32 s5, $0x1;
	s5 =	sadd.s32 s22, s3  }
0x15: {  	[timem:s7], [sflag:s23] =	dma.local [hbm:s5], s21  }
0x16: {  	_ =	swait.ge [sflag:s23], s21  }
0x17: {  	s4 =	ssub.s32 $0x0, s21;
	[sflag:s23] =	ssyncset.done $0x0  }
0x18: {  	[sflag:s23] =	ssyncadd.s32 s4;
	_ =	sdelay $0x1  }
0x19: {  	s24 =	simm.s32 $0x1B8B  }
0x1a: {  	_ =	swait.ge [sflag:s24], $0x1  }
0x1b: {  	[sflag:s24] =	ssyncset.done $0x0  }
0x1c: {  	s26 =	simm.s32 $0x1B8E;
	s25 =	sld [smem:$0x3FFE];
	[sflag:s24] =	ssyncadd.s32 $0xFFFFFFFF  }
0x1d: {  	s27 =	simm.s32 $execute0_lowered;
	[smem:$0x3FD2] =	sst s26  }
0x1e: {  	s5 =	sshll.u32 s27, $0x1;
	_ =	strace $0x80000049;
	[dreg:$0x1] =	wrdreg $0xFFFFFFFF  }
0x1f: {  	s28 =	simm.s32 $_size_execute0_lowered;
	s3 =	sadd.s32 s3, s5;
	[dreg:$0x0] =	wrdreg $0x0  }
0x20: {  	s5 =	sshll.u32 s28, $0x1;
	[dreg:$0x2] =	wrdreg s3  }
0x21: {  	[dreg:$0x3] =	wrdreg s5  }
0x22: {  	[dreg:$0x4] =	wrdreg $0xC0  }
0x23: {  	_ =	task [dreg:s7], $0x5FFFF  }
0x24: {  	[dreg:$0x1] =	wrdreg $0xFFFFFFFF  }
0x25: {  	[dreg:$0x0] =	wrdreg $0x60  }
0x26: {  	[dreg:$0x2] =	wrdreg s25  }
0x27: {  	[dreg:$0x3] =	wrdreg s2  }
0x28: {  	[dreg:$0x4] =	wrdreg $0x9  }
0x29: {  	_ =	task.clear_ibuf [dreg:s7], $0x5FFFF;
	_ =	strace $0x90000049  }
0x2a: {  	s29 =	simm.s32 $0x9;
	_ =	strace $0x8000004B  }
0x2b: {  	_ =	swait.ge [sflag:s29], $0x1  }
0x2c: {  	[sflag:s29] =	ssyncadd.s32 $0xFFFFFFFF  }
0x2d: {  	_ =	strace $0x9000004B  }
0x2e: {  	_ =	sfence  }
0x2f: {  	s30 =	sld [smem:$0x0];
	_ =	sdelay $0x2  }
0x30: {  	s31 =	sshll.u32 s1, $0xD;
	s1 =	sshrl.u32 s1, $0x2  }
0x31: {  	s3 =	sand.u32 $0x4000, s31;
	s1 =	sadd.s32 s1, s30  }
0x32: {  	s0 =	sor.u32 s3, s0;
	s1 =	sshll.u32 s1, $0x11  }
0x33: {  	s0 =	sor.u32 s1, s0  }
0x34: {  	s0 =	sadd.s32 $0x8F2B, s0  }
0x35: {  	[sflag:s0] =	ssyncadd.remote.s32 $0x1  }
0x36: {  	_ =	sfence.sel $0xFFFF  }
0x37: {  	[dreg:$0x0] =	wrdreg $0xFFFFFFFF;
	(pc) =	sbr.abs _section_cstart, $3  }
0x38: {  	[dreg:$0x1] =	wrdreg $0xFFFFFFFF  }
0x39: {  	_ =	task.clear_ibuf [dreg:s7], $0x2FFFF;
	_ =	strace $0x9FFFFFFF  }
0x3a: {  	(tm) =	ssettm $0x7FFFFFFF  }
0x3b: {  	_ =	shalt  }
tec
execute0_lowered:
.L_overlay_start_1:
0x0: {  	(tag) =	ssettag $0x1  }
0x1: {  	s0 =	srdreg.scid  }
0x2: {  	s1 =	sshll.u32 s0, $0x4  }
0x3: {  	s0 =	stileid.u32;
	s1 =	sand.u32 $0x10, s1  }
0x4: {  	s1 =	sor.u32 s0, s1  }
0x5: {  	s6 =	rddreg [dreg:$0x0];
	s4 =	simm.s32 $0x1;
	s2 =	sshll.u32 s1, $0x7  }
0x6: {  	s7 =	simm.s32 $0x2;
	s12 =	simm.s32 $0x0;
	s1 =	ssub.s32 $0x4000, s2  }
0x7: {  	s8 =	simm.s32 $0x20000;
	s13 =	simm.s32 $0x0;
	s3 =	sand.u32 $0xF80, s1  }
0x8: {  	s9 =	simm.s32 $0x0;
	s5 =	sshrl.u32 s1, $0xC;
	p0 =	sne.s32 s3, $0x0  }
.Ltmp0:
0x9: {  	s1 =	rddreg [dreg:$0x2];
	s4 =	simm.s32 @!p0 $0x0;
	(pc) =	sbr.rel .LBB1_1-.Ltmp0, $4  }
0xa: {  	s11 =	simm.s32 $0x0;
	s3 =	rddreg [dreg:$0x1];
	s5 =	sadd.s32 s4, s5  }
0xb: {  	_ =	strace $0x8000004A;
	s4 =	simm.s32 $0x1;
	s5 =	smul.u32 $0x32, s5  }
0xc: {  	s6 =	sadd.s32 $0xA00, s6;
	s10 =	smov.u32 s2;
	[sflag:s4] =	ssyncpa.u1 $0x0  }
0xd: {  	p0 =	por $0x0, $0x0;
	[sflag:s7] =	ssyncpa.u1 $0x0;
	s7 =	sor.u32 $0x1, s5  }
.LBB1_4:
0xe: {  	s16 =	sshll.u32 s13, $0x3;
	s17 =	sand.u32 $0x78, s13  }
0xf: {  	s30 =	sand.u32 $0x1F800, s13;
	s12 =	sshll.u32 s12, $0x11;
	s16 =	sand.u32 $0x3C00, s16  }
0x10: {  	[tilespmem:s15+$0x810 ss:$0x81] =	vst.msk $0xffff, v2;
	s31 =	sand.u32 $0x7, s13;
	s16 =	sor.u32 s17, s16;
	s17 =	sadd.s32 s3, s30  }
0x11: {  	[tilespmem:s15+$0x1020 ss:$0x81] =	vst.msk $0xffff, v0;
	s13 =	sshll.u32 s31, $0x12;
	s12 =	sadd.s32 s12, s17;
	s16 =	sshrl.u32 s16, $0x3  }
0x12: {  	[tilespmem:s15+$0x0 ss:$0x81] =	vst.msk $0xffff, v1;
	s13 =	sor.u32 $0x400, s13;
	s12 =	sadd.s32 s16, s12  }
0x13: {  	[hbm4b:s12+s13] =	stream.strided.scatter [tilespmem:s14], [sflag:$0x2], $0x2000, s8, s13, $0x20;
	[tilespmem:$0x8080] =	vst v63  }
.LBB1_5:
0x14: {  	s14 =	sadd.s32 $0x1, s9  }
0x15: {  	s12 =	sadd.s32 $0x1000, s10;
	s16 =	smov.u32 s10;
	p2 =	sgt.s32 s14, $0x31  }
0x16: {  	s16 =	smov.u32 @p2 s12  }
0x17: {  	s14 =	simm.s32 @p2 $0x0;
	p2 =	sgt.s32 s16, $0x3FFF  }
0x18: {  	s16 =	smov.u32 @p2 s2;
	p2 =	sne.s32 s11, s7  }
.Ltmp1:
0x19: {  	p1 =	slt.u32 s11, $0x2;
	(pc) =	sbr.rel @!p2 .LBB1_6-.Ltmp1, $4  }
0x1a: {  	s15 =	simm.s32 @!p1 $0x2  }
0x1b: {  	s13 =	smov.u32 s10;
	p0 =	por !p0, !p0;
	_ =	swait.ge @!p1 [sflag:s15], $0x2000  }
0x1c: {  	s12 =	smov.u32 s9;
	[sflag:s15] =	ssyncset.done @!p1 $0x0;
	s9 =	smov.u32 s14  }
0x1d: {  	s11 =	sadd.s32 $0x1, s11;
	[sflag:s15] =	ssyncadd.s32 @!p1 $0xFFFFE000;
	s10 =	smov.u32 s16  }
.LBB1_1:
0x1e: {  	p1 =	sge.u32 s11, s5  }
0x1f: {  	s14 =	sand.u32 @!p1 $0x1FFFFFF, s9  }
0x20: {  	s15 =	smulhi.u32 @!p1 $0x4924925, s14;
	_ =	sdelay $0x1  }
0x21: {  	s15 =	smul.u32 @!p1 $0x38, s15  }
0x22: {  	s16 =	sxor.u32 @!p1 $0xFFFFFFFF, s11;
	s17 =	smul.u32 @!p1 $0x380, s10  }
0x23: {  	s31 =	sadd.s32 $0xFFFFFFFF, s11;
	s16 =	sshll.u32 @!p1 s16, $0xD;
	s14 =	ssub.s32 @!p1 s14, s15  }
0x24: {  	s15 =	sand.u32 @!p1 $0x2000, s16;
	s16 =	sadd.s32 @!p1 s6, s17;
	s14 =	sshll.u32 @!p1 s14, $0x4  }
0x25: {  	s17 =	simm.s32 @!p1 $0x1C00;
	s14 =	sadd.s32 @!p1 s14, s16;
	s16 =	simm.s32 @!p1 $0x40  }
0x26: {  	[tilespmem:s15], [sflag:$0x1] =	stream.strided.gather @!p1 [hbm4b:s14+s16], $0x2000, s17, s16, $0x38;
	[tilespmem:$0x8080] =	vst v63  }
0x27: {  	p1 =	sge.u32 s31, s5  }
.Ltmp2:
0x28: {  	_ = 	snop;
	(pc) =	sbr.rel @p1 .LBB1_5-.Ltmp2, $1  }
0x29: {  	_ =	sdelay $0x3  }
0x2a: {  	s14 =	simm.s32 $0x1  }
0x2b: {  	_ =	swait.ge [sflag:s4], $0x2000;
	s14 =	simm.s32 @!p0 $0x0  }
0x2c: {  	[sflag:s4] =	ssyncset.done $0x0;
	s15 =	sshll.u32 s14, $0xD  }
0x2d: {  	[sflag:s4] =	ssyncadd.s32 $0xFFFFE000;
	s18 =	sor.u32 $0x20, s15  }
0x2e: {  	s14 =	smul.u32 $0x8100, s14;
	v3 =	vld [tilespmem:s18+$0x10]  }
0x2f: {  	s30 =	sand.u32 $0x1, s11;
	v2 =	vld [tilespmem:s18+$0xFFFFFFF0]  }
0x30: {  	s15 =	smul.u32 $0x8100, s30;
	s14 =	sshrl.u32 s14, $0x2;
	v0 =	vld [tilespmem:s18+$0x0]  }
0x31: {  	v1 =	vld [tilespmem:s18+$0xFFFFFFE0];
	s16 =	sor.u32 $0x4000, s14  }
0x32: {  	s31 =	sshrl.u32 s15, $0x2;
	s15 =	sadd.s32 $0x0, s16  }
0x33: {  	s17 =	simm.s32 $0x4;
	s18 =	sadd.s32 $0x40, s18;
	s14 =	sor.u32 $0x4000, s31;
	[tilespmem:s15+$0x1830 ss:$0x81] =	vst.msk $0xffff, v3  }
.LBB1_3:
0x34: {  	v3 =	vld [tilespmem:s18+$0x10];
	p1 =	sne.s32 s17, $0x1FC;
	[tilespmem:s15+$0x810 ss:$0x81] =	vst.msk $0xffff, v2;
	s19 =	smov.u32 s17;
	s17 =	sadd.s32 $0x4, s17  }
.Ltmp3:
0x35: {  	v2 =	vld [tilespmem:s18+$0xFFFFFFF0];
	[tilespmem:s15+$0x1020 ss:$0x81] =	vst.msk $0xffff, v0;
	(pc) =	sbr.rel @p1 .LBB1_3-.Ltmp3, $4  }
0x36: {  	v0 =	vld [tilespmem:s18+$0x0];
	[tilespmem:s15+$0x0 ss:$0x81] =	vst.msk $0xffff, v1  }
0x37: {  	s15 =	sshra.s32 s19, $0x2;
	v1 =	vld [tilespmem:s18+$0xFFFFFFE0]  }
0x38: {  	s15 =	sadd.s32 s15, s16  }
0x39: {  	s18 =	sadd.s32 $0x40, s18;
	[tilespmem:s15+$0x1830 ss:$0x81] =	vst.msk $0xffff, v3  }
.Ltmp4:
0x3a: {  	_ = 	snop;
	(pc) =	sbr.rel .LBB1_4-.Ltmp4, $1  }
0x3b: {  	_ =	sdelay $0x3  }
.LBB1_6:
0x3c: {  	_ =	sfence.sel $0x180000  }
0x3d: {  	s2 =	simm.s32 $0x1;
	[bflag:$0x0] =	sbarrier.arrive $0xFFFF  }
0x3e: {  	s31 =	simm.s32 $0x2;
	[sflag:s2] =	ssyncpa.u1 $0x1  }
0x3f: {  	[sflag:s31] =	ssyncpa.u1 $0x1  }
0x40: {  	p0 =	sne.s32 s0, $0x0;
	_ =	strace $0x9000004A  }
0x41: {  	s0 =	sadd.s32 @!p0 $0x100000, s1;
	[bflag:$0x2] =	sbarrier.arrive $0xFFFF  }
0x42: {  	[sflag:s0] =	ssyncadd.tile.s32 @!p0 $0x1;
	_ =	shalt  }
.Lfunc_end1:
_tile_overlayer_lowered:
.L_overlay_start_2:
0x43: {  	(tag) =	ssettag $0x2  }
0x44: {  	s0 =	rddreg [dreg:$0x0];
	s2 =	stileid.u32  }
0x45: {  	s1 =	rddreg [dreg:$0x1];
	p0 =	sne.s32 s2, $0x0  }
0x46: {  	s3 =	rddreg [dreg:$0x2];
	[bflag:$0x3] =	sbarrier.arrive $0xFFFF;
	s2 =	simm.s32 @!p0 $0x1C01  }
0x47: {  	[timem:s3], [sflag:s2] =	dma.local @!p0 [hbm:s0], s1  }
0x48: {  	s0 =	simm.s32 @!p0 $0x1  }
0x49: {  	_ =	swait.ge @!p0 [sflag:s0], s1  }
0x4a: {  	s1 =	ssub.s32 @!p0 $0x0, s1;
	[sflag:s0] =	ssyncset.done @!p0 $0x0  }
0x4b: {  	[sflag:s0] =	ssyncadd.s32 @!p0 s1  }
0x4c: {  	[bflag:$0x3] =	sbarrier.arrive $0xFFFF  }
0x4d: {  	_ =	shalt  }

</sc_bundles>
